<compile_context>
chip_gen: v7x
topology: tpu7x:2x2x1
jax: 0.10.2.dev20260603
libtpu: 0.0.44.dev20260713+nightly
codegen_flags: <defaults>
</compile_context>

<pallas_src>
import functools

import jax
import jax.numpy as jnp
from jax import lax
from jax.experimental import pallas as pl
from jax.experimental.pallas import tpu as pltpu
from jax.experimental.pallas import tpu_sc as plsc


def _make_sc_scatter(dim, bsz, per_w, chunk):
    info = plsc.get_sparse_core_info()
    nc = info.num_cores
    mesh = plsc.VectorSubcoreMesh(core_axis_name="c", subcore_axis_name="s")
    niter = per_w // chunk

    @functools.partial(
        pl.kernel, mesh=mesh,
        out_type=jax.ShapeDtypeStruct((nc * bsz, dim), jnp.float32),
        scratch_types=[
            pltpu.VMEM((chunk, dim), jnp.float32),
            pltpu.VMEM((chunk,), jnp.int32),
            pltpu.VMEM((bsz, dim), jnp.float32),
        ],
    )
    def k(x_hbm, idx_hbm, out_hbm, rows_v, idx_v, zero_v):
        cid = lax.axis_index("c")
        sid = lax.axis_index("s")
        wid = sid * nc + cid
        base = wid * per_w

        @pl.when(sid == 0)
        def _init():
            zero_v[...] = jnp.zeros_like(zero_v[...])
            pltpu.sync_copy(zero_v, out_hbm.at[pl.ds(cid * bsz, bsz)])

        plsc.subcore_barrier()

        def body(i, _):
            off = base + i * chunk
            pltpu.sync_copy(idx_hbm.at[pl.ds(off, chunk)], idx_v)
            pltpu.sync_copy(x_hbm.at[pl.ds(off, chunk)], rows_v)
            idx_v[...] = idx_v[...] + cid * bsz
            pltpu.sync_copy(rows_v, out_hbm.at[idx_v], add=True)
            return ()

        lax.fori_loop(0, niter, body, ())

    return k


def kernel(x, batch, q_star, W_ih, W_hh, b_ih, b_hh):
    n, dim = x.shape
    bsz, two_d = q_star.shape
    per_w = 1568
    chunk = 56
    n_pad = 32 * per_w
    xp = jnp.pad(x, ((0, n_pad - n), (0, 0)))
    bp = jnp.pad(batch.astype(jnp.int32), (0, n_pad - n))
    sc = _make_sc_scatter(dim, bsz, per_w, chunk)
    parts = sc(xp, bp).reshape(2, bsz, dim)
    r = parts[0] + parts[1]
    return jnp.concatenate([r, r], axis=1)

# --- scband reference (transcript-rebuilt; emitter-appended) ---
"""Pipeline reference for scband-reason-module-3547642986774 (READ-ONLY COPY).

The authoritative reference and input builder live on the scoring server;
editing this copy changes nothing except your own understanding.
"""

import jax, jax.numpy as jnp
import numpy as np

N = 50000
D = 256
B = 128
STEPS = 3


def setup_inputs(seed: int = 0) -> dict:
    key = jax.random.key(seed)
    ks = jax.random.split(key, 8)
    x = jax.random.normal(ks[0], (N, D), dtype=jnp.float32)
    batch = jnp.sort(jax.random.randint(ks[1], (N,), 0, B)).astype(jnp.int64)
    q_star = jax.random.normal(ks[2], (B, 2 * D), dtype=jnp.float32)
    s = 1.0 / np.sqrt(D)
    W_ih = jax.random.uniform(ks[3], (4 * D, 2 * D), dtype=jnp.float32, minval=-s, maxval=s)
    W_hh = jax.random.uniform(ks[4], (4 * D, D), dtype=jnp.float32, minval=-s, maxval=s)
    b_ih = jax.random.uniform(ks[5], (4 * D,), dtype=jnp.float32, minval=-s, maxval=s)
    b_hh = jax.random.uniform(ks[6], (4 * D,), dtype=jnp.float32, minval=-s, maxval=s)
    return {"x": x, "batch": batch, "q_star": q_star, "W_ih": W_ih, "W_hh": W_hh, "b_ih": b_ih, "b_hh": b_hh}


def _lstm_step(inp, h, c, W_ih, W_hh, b_ih, b_hh):
    # PyTorch nn.LSTM single step; gate order i, f, g, o
    gates = inp @ W_ih.T + h @ W_hh.T + b_ih + b_hh
    i, f, g, o = jnp.split(gates, 4, axis=-1)
    i = jax.nn.sigmoid(i)
    f = jax.nn.sigmoid(f)
    g = jnp.tanh(g)
    o = jax.nn.sigmoid(o)
    c_new = f * c + i * g
    h_new = o * jnp.tanh(c_new)
    return h_new, c_new


def reference(x, batch, q_star, W_ih, W_hh, b_ih, b_hh):
    batch = batch.astype(jnp.int32)
    batch_size = B  # == batch.max() + 1 (statically known for jit)
    h = jnp.zeros((batch_size, D), dtype=x.dtype)
    c = jnp.zeros((batch_size, D), dtype=x.dtype)
    for _ in range(STEPS):
        h, c = _lstm_step(q_star, h, c, W_ih, W_hh, b_ih, b_hh)
        q = h  # [B, D]
        # attention logits per node
        e = jnp.sum(x * q[batch], axis=-1, keepdims=True)  # [N, 1]
        # segment softmax over nodes of each graph
        e_max = jax.ops.segment_max(e, batch, num_segments=batch_size)
        e_exp = jnp.exp(e - jax.lax.stop_gradient(e_max)[batch])
        denom = jax.ops.segment_sum(e_exp, batch, num_segments=batch_size)
        a = e_exp / (denom[batch] + 1e-16)
        r = jax.ops.segment_sum(a * x, batch, num_segments=batch_size)  # [B, D]
        q_star = jnp.concatenate([q, r], axis=-1)  # [B, 2D]
    return q_star

if __name__ == "__main__":
    import jax
    _d = setup_inputs()
    print(jax.jit(kernel)(*tuple(_d.values())))

</pallas_src>

<mosaic_0001>
#map = affine_map<(d0, d1) -> (0, 0)>
#map1 = affine_map<(d0, d1) -> (0)>
module attributes {stable_mosaic.version = 14 : i64} {
  func.func @k(%arg0: i32, %arg1: i32, %arg2: memref<50176x256xf32, #tpu.memory_space<hbm>>, %arg3: memref<50176xi32, #tpu.memory_space<hbm>>, %arg4: memref<256x256xf32, #tpu.memory_space<hbm>>, %arg5: memref<56x256xf32, #tpu.memory_space<vmem>>, %arg6: memref<56xi32, #tpu.memory_space<vmem>>, %arg7: memref<128x256xf32, #tpu.memory_space<vmem>>) attributes {dimension_semantics = [#tpu.dimension_semantics<core_parallel>, #tpu.dimension_semantics<subcore_parallel>], iteration_bounds = array<i64: 2, 16>, scalar_prefetch = 0 : i64, scratch_operands = 3 : i64, tpu.core_type = #tpu.core_type<sc_vector_subcore>, window_params = [{transform_indices = #map}, {transform_indices = #map1}, {transform_indices = #map}]} {
    %mul3A = arith.constant 2 : i32
    %mul3A_0 = arith.muli %arg1, %mul3A : i32
    %add3A = arith.addi %mul3A_0, %arg0 : i32
    %mul3A_1 = arith.constant 1568 : i32
    %mul3A_2 = arith.muli %add3A, %mul3A_1 : i32
    %eq3A = arith.constant 0 : i32
    %eq3A_3 = arith.cmpi eq, %arg1, %eq3A : i32
    %convert_element_type3A = arith.extui %eq3A_3 : i1 to i32
    %cond3A = arith.constant 0 : i32
    %cond3A_4 = arith.cmpi ne, %convert_element_type3A, %cond3A : i32
    scf.if %cond3A_4 {
      %get3A = arith.constant 0 : index
      %get3A_9 = arith.constant 0 : index
      %get3A_10 = tpu.vector_load %arg7[%get3A, %get3A_9] {strides = array<i32>} : memref<128x256xf32, #tpu.memory_space<vmem>>, vector<128x256xf32>,
      %get3A_11 = vector.shape_cast %get3A_10 : vector<128x256xf32> to vector<128x256xf32>
      %broadcast_in_dim3A = arith.constant 0.000000e+00 : f32
      %broadcast_in_dim3A_12 = vector.broadcast %broadcast_in_dim3A : f32 to vector<128x256xf32>
      %swap3A = arith.constant 0 : index
      %swap3A_13 = arith.constant 0 : index
      %swap3A_14 = tpu.vector_load %arg7[%swap3A, %swap3A_13] {strides = array<i32>} : memref<128x256xf32, #tpu.memory_space<vmem>>, vector<128x256xf32>,
      %swap3A_15 = vector.shape_cast %swap3A_14 : vector<128x256xf32> to vector<128x256xf32>
      %swap3A_16 = vector.shape_cast %broadcast_in_dim3A_12 : vector<128x256xf32> to vector<128x256xf32>
      tpu.vector_store %arg7[%swap3A, %swap3A_13], %swap3A_16 {strides = array<i32>} : memref<128x256xf32, #tpu.memory_space<vmem>>, vector<128x256xf32>,
      %mul3A_17 = arith.constant 128 : i32
      %mul3A_18 = arith.muli %arg0, %mul3A_17 : i32
      "tpu.region"() ({
        %run_scoped3A = tpu.sem_alloc : memref<!tpu.dma_semaphore, #tpu.memory_space<semaphore_mem>>
        %dma_start3A = arith.constant 0 : i32
        %dma_start3A_19 = tpu.memref_slice %arg4[%mul3A_18, %dma_start3A] : memref<256x256xf32, #tpu.memory_space<hbm>> -> memref<128x256xf32, #tpu.memory_space<hbm>>
        %dma_start3A_20 = arith.constant 0 : i32
        %dma_start3A_21 = tpu.memref_slice %arg4[%mul3A_18, %dma_start3A_20] : memref<256x256xf32, #tpu.memory_space<hbm>> -> memref<128x256xf32, #tpu.memory_space<hbm>>
        tpu.enqueue_dma source(%arg7 : memref<128x256xf32, #tpu.memory_space<vmem>>) target(%dma_start3A_21 : memref<128x256xf32, #tpu.memory_space<hbm>>) target_semaphore(%run_scoped3A : memref<!tpu.dma_semaphore, #tpu.memory_space<semaphore_mem>>)
        %dma_wait3A = arith.constant 0 : i32
        %dma_wait3A_22 = tpu.memref_slice %arg4[%mul3A_18, %dma_wait3A] : memref<256x256xf32, #tpu.memory_space<hbm>> -> memref<128x256xf32, #tpu.memory_space<hbm>>
        %dma_wait3A_23 = arith.constant 0 : i32
        %dma_wait3A_24 = tpu.memref_slice %arg4[%mul3A_18, %dma_wait3A_23] : memref<256x256xf32, #tpu.memory_space<hbm>> -> memref<128x256xf32, #tpu.memory_space<hbm>>
        tpu.wait_dma2 semaphore(%run_scoped3A : memref<!tpu.dma_semaphore, #tpu.memory_space<semaphore_mem>>) src(%arg7 : memref<128x256xf32, #tpu.memory_space<vmem>>) dst(%dma_wait3A_24 : memref<128x256xf32, #tpu.memory_space<hbm>>)
        tpu.yield
      }) : () -> ()
    } else {
    }
    %barrier3A = arith.constant 0 : index
    tpu.barrier barrier_id(%barrier3A)
    %scan3A = arith.constant 0 : i32
    %scan3A_5 = arith.constant 28 : i32
    %scan3A_6 = arith.addi %scan3A, %scan3A_5 : i32
    %scan3A_7 = arith.constant 1 : i32
    scf.for %scan3A_9 = %scan3A to %scan3A_6 step %scan3A_7  : i32 {
      %mul3A_10 = arith.constant 56 : i32
      %mul3A_11 = arith.muli %scan3A_9, %mul3A_10 : i32
      %add3A_12 = arith.addi %mul3A_2, %mul3A_11 : i32
      "tpu.region"() ({
        %run_scoped3A = tpu.sem_alloc : memref<!tpu.dma_semaphore, #tpu.memory_space<semaphore_mem>>
        %dma_start3A = tpu.memref_slice %arg3[%add3A_12] : memref<50176xi32, #tpu.memory_space<hbm>> -> memref<56xi32, #tpu.memory_space<hbm>>
        %dma_start3A_22 = tpu.memref_slice %arg3[%add3A_12] : memref<50176xi32, #tpu.memory_space<hbm>> -> memref<56xi32, #tpu.memory_space<hbm>>
        tpu.enqueue_dma source(%dma_start3A_22 : memref<56xi32, #tpu.memory_space<hbm>>) target(%arg6 : memref<56xi32, #tpu.memory_space<vmem>>) target_semaphore(%run_scoped3A : memref<!tpu.dma_semaphore, #tpu.memory_space<semaphore_mem>>)
        %dma_wait3A = tpu.memref_slice %arg3[%add3A_12] : memref<50176xi32, #tpu.memory_space<hbm>> -> memref<56xi32, #tpu.memory_space<hbm>>
        %dma_wait3A_23 = tpu.memref_slice %arg3[%add3A_12] : memref<50176xi32, #tpu.memory_space<hbm>> -> memref<56xi32, #tpu.memory_space<hbm>>
        tpu.wait_dma2 semaphore(%run_scoped3A : memref<!tpu.dma_semaphore, #tpu.memory_space<semaphore_mem>>) src(%dma_wait3A_23 : memref<56xi32, #tpu.memory_space<hbm>>) dst(%arg6 : memref<56xi32, #tpu.memory_space<vmem>>)
        tpu.yield
      }) : () -> ()
      "tpu.region"() ({
        %run_scoped3A = tpu.sem_alloc : memref<!tpu.dma_semaphore, #tpu.memory_space<semaphore_mem>>
        %dma_start3A = arith.constant 0 : i32
        %dma_start3A_22 = tpu.memref_slice %arg2[%add3A_12, %dma_start3A] : memref<50176x256xf32, #tpu.memory_space<hbm>> -> memref<56x256xf32, #tpu.memory_space<hbm>>
        %dma_start3A_23 = arith.constant 0 : i32
        %dma_start3A_24 = tpu.memref_slice %arg2[%add3A_12, %dma_start3A_23] : memref<50176x256xf32, #tpu.memory_space<hbm>> -> memref<56x256xf32, #tpu.memory_space<hbm>>
        tpu.enqueue_dma source(%dma_start3A_24 : memref<56x256xf32, #tpu.memory_space<hbm>>) target(%arg5 : memref<56x256xf32, #tpu.memory_space<vmem>>) target_semaphore(%run_scoped3A : memref<!tpu.dma_semaphore, #tpu.memory_space<semaphore_mem>>)
        %dma_wait3A = arith.constant 0 : i32
        %dma_wait3A_25 = tpu.memref_slice %arg2[%add3A_12, %dma_wait3A] : memref<50176x256xf32, #tpu.memory_space<hbm>> -> memref<56x256xf32, #tpu.memory_space<hbm>>
        %dma_wait3A_26 = arith.constant 0 : i32
        %dma_wait3A_27 = tpu.memref_slice %arg2[%add3A_12, %dma_wait3A_26] : memref<50176x256xf32, #tpu.memory_space<hbm>> -> memref<56x256xf32, #tpu.memory_space<hbm>>
        tpu.wait_dma2 semaphore(%run_scoped3A : memref<!tpu.dma_semaphore, #tpu.memory_space<semaphore_mem>>) src(%dma_wait3A_27 : memref<56x256xf32, #tpu.memory_space<hbm>>) dst(%arg5 : memref<56x256xf32, #tpu.memory_space<vmem>>)
        tpu.yield
      }) : () -> ()
      %get3A = arith.constant 0 : index
      %get3A_13 = tpu.vector_load %arg6[%get3A] {strides = array<i32>} : memref<56xi32, #tpu.memory_space<vmem>>, vector<56xi32>,
      %get3A_14 = vector.shape_cast %get3A_13 : vector<56xi32> to vector<56xi32>
      %mul3A_15 = arith.constant 128 : i32
      %mul3A_16 = arith.muli %arg0, %mul3A_15 : i32
      %add3A_17 = vector.broadcast %mul3A_16 : i32 to vector<56xi32>
      %add3A_18 = arith.addi %get3A_14, %add3A_17 : vector<56xi32>
      %swap3A = arith.constant 0 : index
      %swap3A_19 = tpu.vector_load %arg6[%swap3A] {strides = array<i32>} : memref<56xi32, #tpu.memory_space<vmem>>, vector<56xi32>,
      %swap3A_20 = vector.shape_cast %swap3A_19 : vector<56xi32> to vector<56xi32>
      %swap3A_21 = vector.shape_cast %add3A_18 : vector<56xi32> to vector<56xi32>
      tpu.vector_store %arg6[%swap3A], %swap3A_21 {strides = array<i32>} : memref<56xi32, #tpu.memory_space<vmem>>, vector<56xi32>,
      "tpu.region"() ({
        %run_scoped3A = tpu.sem_alloc : memref<!tpu.dma_semaphore, #tpu.memory_space<semaphore_mem>>
        %dma_start3A = arith.constant 0 : i32
        %dma_start3A_22 = arith.constant 0 : i32
        %dma_start3A_23 = tpu.memref_slice %arg4[%dma_start3A, %dma_start3A_22] : memref<256x256xf32, #tpu.memory_space<hbm>> -> memref<256x256xf32, #tpu.memory_space<hbm>>
        tpu.enqueue_indirect_dma source(%arg5 : memref<56x256xf32, #tpu.memory_space<vmem>>) target(%dma_start3A_23 : memref<256x256xf32, #tpu.memory_space<hbm>>) offsets(%arg6 : memref<56xi32, #tpu.memory_space<vmem>>) semaphore(%run_scoped3A : memref<!tpu.dma_semaphore, #tpu.memory_space<semaphore_mem>>) {add = true}
        %dma_wait3A = arith.constant 0 : i32
        %dma_wait3A_24 = arith.constant 0 : i32
        %dma_wait3A_25 = tpu.memref_slice %arg4[%dma_wait3A, %dma_wait3A_24] : memref<256x256xf32, #tpu.memory_space<hbm>> -> memref<256x256xf32, #tpu.memory_space<hbm>>
        tpu.wait_indirect_dma semaphore(%run_scoped3A : memref<!tpu.dma_semaphore, #tpu.memory_space<semaphore_mem>>) src(%arg5 : memref<56x256xf32, #tpu.memory_space<vmem>>) dst(%dma_wait3A_25 : memref<256x256xf32, #tpu.memory_space<hbm>>)
        tpu.yield
      }) : () -> ()
    }
    %scan3A_8 = arith.constant 28 : i32
    return
  }
}

</mosaic_0001>

<sc_bundles>
// kernel: kernel.3.cloned.1.call-start
scs
__scs_entry_jumppad:
0x0: {  	(pc) =	sbr.rel $0x88, $3  }
0x1: {  	(tag) =	ssettag $0x0;
	lr =	simm.s32 $0x1  }
0x2: {  	[smem:$0x3F9F] =	sst lr;
	_ =	strace $0xD0000000  }
0x3: {  	_ = 	snop  }
0x4: {  	_ = 	snop  }
0x5: {  	_ = 	snop  }
0x6: {  	_ = 	snop  }
0x7: {  	_ = 	snop  }
__scs_overlays_trampoline_lowered:
0x8: {  	[smem:$0x3FAE] =	sst s0  }
0x9: {  	[smem:$0x3FAF] =	sst s1  }
0xa: {  	[smem:$0x3FB0] =	sst s2  }
0xb: {  	[smem:$0x3FB1] =	sst s3  }
0xc: {  	[smem:$0x3FB2] =	sst s4  }
0xd: {  	[smem:$0x3FB3] =	sst s5  }
0xe: {  	[smem:$0x3FB4] =	sst s6  }
0xf: {  	[smem:$0x3FB5] =	sst s7  }
0x10: {  	[smem:$0x3FB6] =	sst s8  }
0x11: {  	[smem:$0x3FB7] =	sst s9;
	s0 =	simm.s32 @!p0 $0x0  }
0x12: {  	s1 =	sld [smem:$0x3F9D];
	s0 =	simm.s32 @p0 $0x1  }
0x13: {  	[smem:$0x3FB8] =	sst s0;
	s0 =	simm.s32 @!p1 $0x0  }
0x14: {  	s2 =	sld [smem:$0x3F9C];
	s0 =	simm.s32 @p1 $0x1  }
0x15: {  	[smem:$0x3FB9] =	sst s0;
	s0 =	simm.s32 @!p2 $0x0  }
0x16: {  	s3 =	sld [smem:$0x3FDB];
	s0 =	simm.s32 @p2 $0x1  }
0x17: {  	s4 =	simm.s32 $0x1BF5;
	[smem:$0x3FBB] =	sst s0  }
0x18: {  	s0 =	sld [smem:$0x3F9E];
	_ =	swait.ge [sflag:s4], $0x0  }
0x19: {  	s7 =	sld [smem:$0x3F9F]  }
0x1a: {  	s8 =	sadd.s32 $0xFFFFE003, lr  }
0x1b: {  	s9 =	sadd.s32 $0xFFFFFEF7, lr;
	s5 =	simm.s32 $0xFFFFFFFF;
	p2 =	slt.u32 s8, $0xFFFFF086  }
0x1c: {  	p1 =	slt.u32 s9, $0xF7A;
	s5 =	simm.s32 @!p2 $0x0  }
0x1d: {  	s5 =	simm.s32 @p1 $0x1;
	p0 =	seq.s32 s7, s2  }
0x1e: {  	s7 =	smul.u32 @!p0 $0xF7A, s2;
	p2 =	seq.s32 @!p0 s5, $0x0  }
0x1f: {  	s9 =	smul.u32 $0xF7A, s1;
	s8 =	simm.s32 @!p0 $0x1BF5;
	p2 =	por !p2, p0  }
0x20: {  	[sflag:s8] =	ssyncset.s32 @!p0 $0xFFFFF086;
	s6 =	sadd.s32 @!p0 s3, s7;
	s7 =	simm.s32 @!p0 $0x108  }
0x21: {  	s3 =	sadd.s32 s3, s9;
	s6 =	sadd.s32 @!p0 $0x88, s6;
	s7 =	simm.s32 @p2 $0x1082  }
0x22: {  	[simem:s7], [sflag:s8] =	dma.local @!p0 [hbm:s6], $0xF7A  }
0x23: {  	s9 =	sor.u32 $0xD0000000, s2;
	s6 =	simm.s32 $0x108;
	_ =	swait.ge @!p0 [sflag:s8], $0x0  }
0x24: {  	s3 =	sadd.s32 $0x88, s3;
	s6 =	simm.s32 @!p1 $0x1082;
	[sflag:s4] =	ssyncset.s32 $0xFFFFF086  }
0x25: {  	[simem:s6], [sflag:s4] =	dma.local [hbm:s3], $0xF7A  }
0x26: {  	[smem:$0x3F9F] =	sst s1;
	(tag) =	ssettag s2;
	_ =	strace s9  }
0x27: {  	s1 =	sld [smem:$0x3FAF]  }
0x28: {  	s2 =	sld [smem:$0x3FB0]  }
0x29: {  	s4 =	sld [smem:$0x3FB2]  }
0x2a: {  	p0 =	seq.s32 s5, $0x0;
	s5 =	sld [smem:$0x3FB3]  }
0x2b: {  	s6 =	sld [smem:$0x3FB4]  }
0x2c: {  	s7 =	sld [smem:$0x3FB5]  }
0x2d: {  	s3 =	simm.s32 $0x108;
	s8 =	sld [smem:$0x3FB6]  }
0x2e: {  	s3 =	simm.s32 @!p0 $0x1082;
	s9 =	sld [smem:$0x3FB7]  }
0x2f: {  	lr =	sadd.s32 s0, s3;
	s0 =	sld [smem:$0x3FAE]  }
0x30: {  	s3 =	sld [smem:$0x3FB1]  }
0x31: {  	[smem:$0x3FBA] =	sst s10  }
0x32: {  	s10 =	sld [smem:$0x3FB8];
	_ =	sdelay $0x3  }
0x33: {  	p0 =	seq.s32 s10, $0x1;
	s10 =	sld [smem:$0x3FBA];
	_ =	sdelay $0x3  }
0x34: {  	[smem:$0x3FBA] =	sst s10  }
0x35: {  	s10 =	sld [smem:$0x3FB9];
	_ =	sdelay $0x3  }
0x36: {  	p1 =	seq.s32 s10, $0x1;
	s10 =	sld [smem:$0x3FBA];
	_ =	sdelay $0x3  }
0x37: {  	[smem:$0x3FBA] =	sst s10  }
0x38: {  	s10 =	sld [smem:$0x3FBB]  }
0x39: {  	_ = 	snop;
	(pc) =	sbr.ind lr, $3  }
0x3a: {  	_ = 	snop  }
0x3b: {  	_ = 	snop  }
0x3c: {  	p2 =	seq.s32 s10, $0x1;
	s10 =	sld [smem:$0x3FBA]  }
0x3d: {  	_ =	shalt  }
0x3e: {  	_ =	shalt  }
0x3f: {  	_ =	shalt  }
0x40: {  	_ =	shalt  }
0x41: {  	_ =	shalt  }
0x42: {  	_ =	shalt  }
0x43: {  	_ =	shalt  }
0x44: {  	_ =	shalt  }
0x45: {  	_ =	shalt  }
0x46: {  	_ =	shalt  }
0x47: {  	_ =	shalt  }
0x48: {  	_ =	shalt  }
0x49: {  	_ =	shalt  }
0x4a: {  	_ =	shalt  }
0x4b: {  	_ =	shalt  }
0x4c: {  	_ =	shalt  }
0x4d: {  	_ =	shalt  }
0x4e: {  	_ =	shalt  }
0x4f: {  	_ =	shalt  }
0x50: {  	_ =	shalt  }
0x51: {  	_ =	shalt  }
0x52: {  	_ =	shalt  }
0x53: {  	_ =	shalt  }
0x54: {  	_ =	shalt  }
0x55: {  	_ =	shalt  }
0x56: {  	_ =	shalt  }
0x57: {  	_ =	shalt  }
0x58: {  	_ =	shalt  }
0x59: {  	_ =	shalt  }
0x5a: {  	_ =	shalt  }
0x5b: {  	_ =	shalt  }
0x5c: {  	_ =	shalt  }
0x5d: {  	_ =	shalt  }
0x5e: {  	_ =	shalt  }
0x5f: {  	_ =	shalt  }
0x60: {  	_ =	shalt  }
0x61: {  	_ =	shalt  }
0x62: {  	_ =	shalt  }
0x63: {  	_ =	shalt  }
0x64: {  	_ =	shalt  }
0x65: {  	_ =	shalt  }
0x66: {  	_ =	shalt  }
0x67: {  	_ =	shalt  }
0x68: {  	_ =	shalt  }
0x69: {  	_ =	shalt  }
0x6a: {  	_ =	shalt  }
0x6b: {  	_ =	shalt  }
0x6c: {  	_ =	shalt  }
0x6d: {  	_ =	shalt  }
0x6e: {  	_ =	shalt  }
0x6f: {  	_ =	shalt  }
0x70: {  	_ =	shalt  }
0x71: {  	_ =	shalt  }
0x72: {  	_ =	shalt  }
0x73: {  	_ =	shalt  }
0x74: {  	_ =	shalt  }
0x75: {  	_ =	shalt  }
0x76: {  	_ =	shalt  }
0x77: {  	_ =	shalt  }
0x78: {  	_ =	shalt  }
0x79: {  	_ =	shalt  }
0x7a: {  	_ =	shalt  }
0x7b: {  	_ =	shalt  }
0x7c: {  	_ =	shalt  }
0x7d: {  	_ =	shalt  }
0x7e: {  	_ =	shalt  }
0x7f: {  	_ =	shalt  }
0x80: {  	_ =	shalt  }
0x81: {  	_ =	shalt  }
0x82: {  	_ =	shalt  }
0x83: {  	_ =	shalt  }
0x84: {  	_ =	shalt  }
0x85: {  	_ =	shalt  }
0x86: {  	_ =	shalt  }
0x87: {  	_ =	shalt  }
.Lfunc_end0:
.L_simem_size_0:
called_computation_lowered:
.L_overlay_start_0:
0x88: {  	s2 =	sld [smem:$0x3FD9]  }
0x89: {  	s3 =	sld [smem:$0x3FFE];
	_ =	sdelay $0x1  }
0x8a: {  	s1 =	srdreg.scid  }
0x8b: {  	s0 =	sand.u32 $0x1, s1  }
0x8c: {  	s17 =	sshll.u32 s0, $0xA;
	s2 =	sadd.s32 s3, s2  }
0x8d: {  	s2 =	sadd.s32 s2, s17  }
0x8e: {  	[smem:$0x3FC6] =	sst s2  }
0x8f: {  	_ = 	snop  }
0x90: {  	s2 =	sld [smem:$0x3FD0];
	(tm) =	ssettm $0x1  }
0x91: {  	s18 =	sld [smem:$0x3FFB];
	_ =	sdelay $0x3  }
0x92: {  	_ =	strace s18  }
0x93: {  	s3 =	sld [smem:$0x3FFC];
	_ =	sdelay $0x3  }
0x94: {  	_ =	strace s3  }
0x95: {  	s3 =	sld [smem:$0x3FFD];
	_ =	sdelay $0x3  }
0x96: {  	_ =	strace s3  }
0x97: {  	_ =	strace $0x8FFFFFFF  }
0x98: {  	s19 =	sld [smem:$0x3FDB];
	_ =	sdelay $0x1  }
0x99: {  	s4 =	simm.s32 $_scs_section_size  }
0x9a: {  	s5 =	simm.s32 $_size__tile_overlayer_lowered;
	s6 =	simm.s32 $_tile_overlayer_lowered  }
0x9b: {  	s22 =	simm.s32 $0x1BFF;
	s21 =	sshll.u32 s6, $0x1;
	s3 =	sadd.s32 s4, s19  }
0x9c: {  	s7 =	simm.s32 $0x0;
	s20 =	sshll.u32 s5, $0x1;
	s5 =	sadd.s32 s21, s3  }
0x9d: {  	[timem:s7], [sflag:s22] =	dma.local [hbm:s5], s20  }
0x9e: {  	_ =	swait.ge [sflag:s22], s20  }
0x9f: {  	s4 =	ssub.s32 $0x0, s20;
	[sflag:s22] =	ssyncset.done $0x0  }
0xa0: {  	[sflag:s22] =	ssyncadd.s32 s4;
	_ =	sdelay $0x1  }
0xa1: {  	s23 =	simm.s32 $0x1B8B  }
0xa2: {  	_ =	swait.ge [sflag:s23], $0x1  }
0xa3: {  	[sflag:s23] =	ssyncset.done $0x0  }
0xa4: {  	s25 =	simm.s32 $0x1B8E;
	s24 =	sld [smem:$0x3FFE];
	[sflag:s23] =	ssyncadd.s32 $0xFFFFFFFF  }
0xa5: {  	s26 =	simm.s32 $execute0_lowered;
	[smem:$0x3FD2] =	sst s25  }
0xa6: {  	s5 =	sshll.u32 s26, $0x1;
	_ =	strace $0x80000046;
	[dreg:$0x1] =	wrdreg $0xFFFFFFFF  }
0xa7: {  	s28 =	simm.s32 $_size_execute0_lowered;
	s3 =	sadd.s32 s3, s5;
	[dreg:$0x0] =	wrdreg $0x0  }
0xa8: {  	s5 =	sshll.u32 s28, $0x1;
	[dreg:$0x2] =	wrdreg s3  }
0xa9: {  	[dreg:$0x3] =	wrdreg s5  }
0xaa: {  	[dreg:$0x4] =	wrdreg $0xC0  }
0xab: {  	_ =	task [dreg:s7], $0x5FFFF  }
0xac: {  	[dreg:$0x1] =	wrdreg $0xFFFFFFFF  }
0xad: {  	[dreg:$0x0] =	wrdreg $0x60  }
0xae: {  	[dreg:$0x2] =	wrdreg s24  }
0xaf: {  	[dreg:$0x3] =	wrdreg s2  }
0xb0: {  	[dreg:$0x4] =	wrdreg $0x9  }
0xb1: {  	_ =	task.clear_ibuf [dreg:s7], $0x5FFFF;
	_ =	strace $0x90000046  }
0xb2: {  	s29 =	simm.s32 $0x9;
	_ =	strace $0x80000048  }
0xb3: {  	_ =	swait.ge [sflag:s29], $0x1  }
0xb4: {  	[sflag:s29] =	ssyncadd.s32 $0xFFFFFFFF  }
0xb5: {  	_ =	strace $0x90000048  }
0xb6: {  	_ =	sfence  }
0xb7: {  	s30 =	sld [smem:$0x0];
	_ =	sdelay $0x2  }
0xb8: {  	s31 =	sshll.u32 s1, $0xD;
	s1 =	sshrl.u32 s1, $0x2  }
0xb9: {  	s3 =	sand.u32 $0x4000, s31;
	s1 =	sadd.s32 s1, s30  }
0xba: {  	s0 =	sor.u32 s3, s0;
	s1 =	sshll.u32 s1, $0x11  }
0xbb: {  	s0 =	sor.u32 s1, s0  }
0xbc: {  	s0 =	sadd.s32 $0x8F2B, s0  }
0xbd: {  	[sflag:s0] =	ssyncadd.remote.s32 $0x1  }
0xbe: {  	_ =	sfence.sel $0xFFFF  }
0xbf: {  	[dreg:$0x0] =	wrdreg $0xFFFFFFFF;
	(pc) =	sbr.abs _section_cstart, $3  }
0xc0: {  	[dreg:$0x1] =	wrdreg $0xFFFFFFFF  }
0xc1: {  	_ =	task.clear_ibuf [dreg:s7], $0x2FFFF;
	_ =	strace $0x9FFFFFFF  }
0xc2: {  	(tm) =	ssettm $0x7FFFFFFF  }
0xc3: {  	_ =	shalt  }
tec
execute0_lowered:
.L_overlay_start_1:
0x0: {  	(tag) =	ssettag $0x1  }
0x1: {  	s3 =	rddreg [dreg:$0x0]  }
0x2: {  	s1 =	rddreg [dreg:$0x1]  }
0x3: {  	s0 =	rddreg [dreg:$0x2]  }
0x4: {  	s7 =	stileid.u32;
	s5 =	srdreg.scid;
	s2 =	simm.s32 $0x0  }
0x5: {  	s11 =	simm.s32 $0x800;
	s12 =	simm.s32 $0x1000;
	s13 =	simm.s32 $0x1800  }
0x6: {  	s14 =	simm.s32 $0x2000;
	s15 =	simm.s32 $0x2800;
	s16 =	simm.s32 $0x3000  }
0x7: {  	s17 =	simm.s32 $0x0;
	s4 =	smul.u32 $0x18800, s7;
	s5 =	sand.u32 $0x1, s5  }
0x8: {  	s6 =	smul.u32 $0xC40, s7;
	[smem:$0x7FF] =	sst s2;
	p0 =	sne.s32 s7, $0x0  }
0x9: {  	s7 =	simm.s32 $0x3880;
	s8 =	smul.u32 $0x620, s5;
	_ =	strace $0x80000047  }
0xa: {  	s28 =	ssub.s32 $0x2, s5;
	s10 =	smul.u32 $0xC400, s5;
	s29 =	sshll.u32 s5, $0xC  }
0xb: {  	s30 =	sshll.u32 s5, $0x7;
	s4 =	sadd.s32 s4, s3;
	s9 =	sshrl.u32 s28, $0x1  }
0xc: {  	s6 =	sadd.s32 s8, s6;
	s8 =	ssub.s32 s28, s9;
	s31 =	sadd.s32 s10, s4  }
0xd: {  	v4 =	vlaneseq.u32;
	v1 =	vimm.f32 $0.0e+00;
	s9 =	simm.s32 $0x3800;
	s10 =	simm.s32 $0x3830;
	s6 =	sshrl.u32 s6, $0x3  }
0xe: {  	vm0 =	vmmov $0xffff;
	v2 =	vand.u32 $0x7, v4;
	v3 =	vshrl.u32 v4, $0x3;
	s4 =	smax.u32 s8, $0x1;
	s5 =	sadd.s32 $0x1E00, s31;
	s6 =	sadd.s32 s6, s3  }
0xf: {  	v4 =	vor.u32 $0x8, v4;
	v3 =	vmul.u32 $0x8, v3;
	v0 =	vmov s30;
	s8 =	simm.s32 $0x1;
	s3 =	sadd.s32 s1, s29;
	s6 =	sadd.s32 $0x400, s6  }
.LBB2_1:
.Ltmp0:
0x10: {  	(pc) =	sbr.rel @p0 .LBB2_3-.Ltmp0, $1  }
0x11: {  	_ =	sdelay $0x3  }
0x12: {  	[tilespmem:$0x3880] =	vst v1  }
0x13: {  	[tilespmem:$0x3890] =	vst v1  }
0x14: {  	[tilespmem:$0x38A0] =	vst v1  }
0x15: {  	[tilespmem:$0x38B0] =	vst v1  }
0x16: {  	[tilespmem:$0x38C0] =	vst v1  }
0x17: {  	[tilespmem:$0x38D0] =	vst v1  }
0x18: {  	[tilespmem:$0x38E0] =	vst v1  }
0x19: {  	[tilespmem:$0x38F0] =	vst v1  }
0x1a: {  	[tilespmem:$0x3C80] =	vst v1  }
0x1b: {  	[tilespmem:$0x3C90] =	vst v1  }
0x1c: {  	[tilespmem:$0x3CA0] =	vst v1  }
0x1d: {  	[tilespmem:$0x3CB0] =	vst v1  }
0x1e: {  	[tilespmem:$0x3CC0] =	vst v1  }
0x1f: {  	[tilespmem:$0x3CD0] =	vst v1  }
0x20: {  	[tilespmem:$0x3CE0] =	vst v1  }
0x21: {  	[tilespmem:$0x3CF0] =	vst v1  }
0x22: {  	[tilespmem:$0x3900] =	vst v1  }
0x23: {  	[tilespmem:$0x3910] =	vst v1  }
0x24: {  	[tilespmem:$0x3920] =	vst v1  }
0x25: {  	[tilespmem:$0x3930] =	vst v1  }
0x26: {  	[tilespmem:$0x3940] =	vst v1  }
0x27: {  	[tilespmem:$0x3950] =	vst v1  }
0x28: {  	[tilespmem:$0x3960] =	vst v1  }
0x29: {  	[tilespmem:$0x3970] =	vst v1  }
0x2a: {  	[tilespmem:$0x3D00] =	vst v1  }
0x2b: {  	[tilespmem:$0x3D10] =	vst v1  }
0x2c: {  	[tilespmem:$0x3D20] =	vst v1  }
0x2d: {  	[tilespmem:$0x3D30] =	vst v1  }
0x2e: {  	[tilespmem:$0x3D40] =	vst v1  }
0x2f: {  	[tilespmem:$0x3D50] =	vst v1  }
0x30: {  	[tilespmem:$0x3D60] =	vst v1  }
0x31: {  	[tilespmem:$0x3D70] =	vst v1  }
0x32: {  	[tilespmem:$0x3980] =	vst v1  }
0x33: {  	[tilespmem:$0x3990] =	vst v1  }
0x34: {  	[tilespmem:$0x39A0] =	vst v1  }
0x35: {  	[tilespmem:$0x39B0] =	vst v1  }
0x36: {  	[tilespmem:$0x39C0] =	vst v1  }
0x37: {  	[tilespmem:$0x39D0] =	vst v1  }
0x38: {  	[tilespmem:$0x39E0] =	vst v1  }
0x39: {  	[tilespmem:$0x39F0] =	vst v1  }
0x3a: {  	[tilespmem:$0x3D80] =	vst v1  }
0x3b: {  	[tilespmem:$0x3D90] =	vst v1  }
0x3c: {  	[tilespmem:$0x3DA0] =	vst v1  }
0x3d: {  	[tilespmem:$0x3DB0] =	vst v1  }
0x3e: {  	[tilespmem:$0x3DC0] =	vst v1  }
0x3f: {  	[tilespmem:$0x3DD0] =	vst v1  }
0x40: {  	[tilespmem:$0x3DE0] =	vst v1  }
0x41: {  	[tilespmem:$0x3DF0] =	vst v1  }
0x42: {  	[tilespmem:$0x3A00] =	vst v1  }
0x43: {  	[tilespmem:$0x3A10] =	vst v1  }
0x44: {  	[tilespmem:$0x3A20] =	vst v1  }
0x45: {  	[tilespmem:$0x3A30] =	vst v1  }
0x46: {  	[tilespmem:$0x3A40] =	vst v1  }
0x47: {  	[tilespmem:$0x3A50] =	vst v1  }
0x48: {  	[tilespmem:$0x3A60] =	vst v1  }
0x49: {  	[tilespmem:$0x3A70] =	vst v1  }
0x4a: {  	[tilespmem:$0x3E00] =	vst v1  }
0x4b: {  	[tilespmem:$0x3E10] =	vst v1  }
0x4c: {  	[tilespmem:$0x3E20] =	vst v1  }
0x4d: {  	[tilespmem:$0x3E30] =	vst v1  }
0x4e: {  	[tilespmem:$0x3E40] =	vst v1  }
0x4f: {  	[tilespmem:$0x3E50] =	vst v1  }
0x50: {  	[tilespmem:$0x3E60] =	vst v1  }
0x51: {  	[tilespmem:$0x3E70] =	vst v1  }
0x52: {  	[tilespmem:$0x3A80] =	vst v1  }
0x53: {  	[tilespmem:$0x3A90] =	vst v1  }
0x54: {  	[tilespmem:$0x3AA0] =	vst v1  }
0x55: {  	[tilespmem:$0x3AB0] =	vst v1  }
0x56: {  	[tilespmem:$0x3AC0] =	vst v1  }
0x57: {  	[tilespmem:$0x3AD0] =	vst v1  }
0x58: {  	[tilespmem:$0x3AE0] =	vst v1  }
0x59: {  	[tilespmem:$0x3AF0] =	vst v1  }
0x5a: {  	[tilespmem:$0x3E80] =	vst v1  }
0x5b: {  	[tilespmem:$0x3E90] =	vst v1  }
0x5c: {  	[tilespmem:$0x3EA0] =	vst v1  }
0x5d: {  	[tilespmem:$0x3EB0] =	vst v1  }
0x5e: {  	[tilespmem:$0x3EC0] =	vst v1  }
0x5f: {  	[tilespmem:$0x3ED0] =	vst v1  }
0x60: {  	[tilespmem:$0x3EE0] =	vst v1  }
0x61: {  	[tilespmem:$0x3EF0] =	vst v1  }
0x62: {  	[tilespmem:$0x3B00] =	vst v1  }
0x63: {  	[tilespmem:$0x3B10] =	vst v1  }
0x64: {  	[tilespmem:$0x3B20] =	vst v1  }
0x65: {  	[tilespmem:$0x3B30] =	vst v1  }
0x66: {  	[tilespmem:$0x3B40] =	vst v1  }
0x67: {  	[tilespmem:$0x3B50] =	vst v1  }
0x68: {  	[tilespmem:$0x3B60] =	vst v1  }
0x69: {  	[tilespmem:$0x3B70] =	vst v1  }
0x6a: {  	[tilespmem:$0x3F00] =	vst v1  }
0x6b: {  	[tilespmem:$0x3F10] =	vst v1  }
0x6c: {  	[tilespmem:$0x3F20] =	vst v1  }
0x6d: {  	[tilespmem:$0x3F30] =	vst v1  }
0x6e: {  	[tilespmem:$0x3F40] =	vst v1  }
0x6f: {  	[tilespmem:$0x3F50] =	vst v1  }
0x70: {  	[tilespmem:$0x3F60] =	vst v1  }
0x71: {  	[tilespmem:$0x3F70] =	vst v1  }
0x72: {  	[tilespmem:$0x3B80] =	vst v1  }
0x73: {  	[tilespmem:$0x3B90] =	vst v1  }
0x74: {  	[tilespmem:$0x3BA0] =	vst v1  }
0x75: {  	[tilespmem:$0x3BB0] =	vst v1  }
0x76: {  	[tilespmem:$0x3BC0] =	vst v1  }
0x77: {  	[tilespmem:$0x3BD0] =	vst v1  }
0x78: {  	[tilespmem:$0x3BE0] =	vst v1  }
0x79: {  	[tilespmem:$0x3BF0] =	vst v1  }
0x7a: {  	[tilespmem:$0x3F80] =	vst v1  }
0x7b: {  	[tilespmem:$0x3F90] =	vst v1  }
0x7c: {  	[tilespmem:$0x3FA0] =	vst v1  }
0x7d: {  	[tilespmem:$0x3FB0] =	vst v1  }
0x7e: {  	[tilespmem:$0x3FC0] =	vst v1  }
0x7f: {  	[tilespmem:$0x3FD0] =	vst v1  }
0x80: {  	[tilespmem:$0x3FE0] =	vst v1  }
0x81: {  	[tilespmem:$0x3FF0] =	vst v1  }
0x82: {  	[tilespmem:$0x3C00] =	vst v1  }
0x83: {  	[tilespmem:$0x3C10] =	vst v1  }
0x84: {  	[tilespmem:$0x3C20] =	vst v1  }
0x85: {  	[tilespmem:$0x3C30] =	vst v1  }
0x86: {  	[tilespmem:$0x3C40] =	vst v1  }
0x87: {  	[tilespmem:$0x3C50] =	vst v1  }
0x88: {  	[tilespmem:$0x3C60] =	vst v1  }
0x89: {  	[tilespmem:$0x3C70] =	vst v1  }
0x8a: {  	[tilespmem:$0x4000] =	vst v1  }
0x8b: {  	[tilespmem:$0x4010] =	vst v1  }
0x8c: {  	[tilespmem:$0x4020] =	vst v1  }
0x8d: {  	[tilespmem:$0x4030] =	vst v1  }
0x8e: {  	[tilespmem:$0x4040] =	vst v1  }
0x8f: {  	[tilespmem:$0x4050] =	vst v1  }
0x90: {  	[tilespmem:$0x4060] =	vst v1  }
0x91: {  	[tilespmem:$0x4070] =	vst v1  }
0x92: {  	[tilespmem:$0x4080] =	vst v1  }
0x93: {  	[tilespmem:$0x4090] =	vst v1  }
0x94: {  	[tilespmem:$0x40A0] =	vst v1  }
0x95: {  	[tilespmem:$0x40B0] =	vst v1  }
0x96: {  	[tilespmem:$0x40C0] =	vst v1  }
0x97: {  	[tilespmem:$0x40D0] =	vst v1  }
0x98: {  	[tilespmem:$0x40E0] =	vst v1  }
0x99: {  	[tilespmem:$0x40F0] =	vst v1  }
0x9a: {  	[tilespmem:$0x4480] =	vst v1  }
0x9b: {  	[tilespmem:$0x4490] =	vst v1  }
0x9c: {  	[tilespmem:$0x44A0] =	vst v1  }
0x9d: {  	[tilespmem:$0x44B0] =	vst v1  }
0x9e: {  	[tilespmem:$0x44C0] =	vst v1  }
0x9f: {  	[tilespmem:$0x44D0] =	vst v1  }
0xa0: {  	[tilespmem:$0x44E0] =	vst v1  }
0xa1: {  	[tilespmem:$0x44F0] =	vst v1  }
0xa2: {  	[tilespmem:$0x4100] =	vst v1  }
0xa3: {  	[tilespmem:$0x4110] =	vst v1  }
0xa4: {  	[tilespmem:$0x4120] =	vst v1  }
0xa5: {  	[tilespmem:$0x4130] =	vst v1  }
0xa6: {  	[tilespmem:$0x4140] =	vst v1  }
0xa7: {  	[tilespmem:$0x4150] =	vst v1  }
0xa8: {  	[tilespmem:$0x4160] =	vst v1  }
0xa9: {  	[tilespmem:$0x4170] =	vst v1  }
0xaa: {  	[tilespmem:$0x4500] =	vst v1  }
0xab: {  	[tilespmem:$0x4510] =	vst v1  }
0xac: {  	[tilespmem:$0x4520] =	vst v1  }
0xad: {  	[tilespmem:$0x4530] =	vst v1  }
0xae: {  	[tilespmem:$0x4540] =	vst v1  }
0xaf: {  	[tilespmem:$0x4550] =	vst v1  }
0xb0: {  	[tilespmem:$0x4560] =	vst v1  }
0xb1: {  	[tilespmem:$0x4570] =	vst v1  }
0xb2: {  	[tilespmem:$0x4180] =	vst v1  }
0xb3: {  	[tilespmem:$0x4190] =	vst v1  }
0xb4: {  	[tilespmem:$0x41A0] =	vst v1  }
0xb5: {  	[tilespmem:$0x41B0] =	vst v1  }
0xb6: {  	[tilespmem:$0x41C0] =	vst v1  }
0xb7: {  	[tilespmem:$0x41D0] =	vst v1  }
0xb8: {  	[tilespmem:$0x41E0] =	vst v1  }
0xb9: {  	[tilespmem:$0x41F0] =	vst v1  }
0xba: {  	[tilespmem:$0x4580] =	vst v1  }
0xbb: {  	[tilespmem:$0x4590] =	vst v1  }
0xbc: {  	[tilespmem:$0x45A0] =	vst v1  }
0xbd: {  	[tilespmem:$0x45B0] =	vst v1  }
0xbe: {  	[tilespmem:$0x45C0] =	vst v1  }
0xbf: {  	[tilespmem:$0x45D0] =	vst v1  }
0xc0: {  	[tilespmem:$0x45E0] =	vst v1  }
0xc1: {  	[tilespmem:$0x45F0] =	vst v1  }
0xc2: {  	[tilespmem:$0x4200] =	vst v1  }
0xc3: {  	[tilespmem:$0x4210] =	vst v1  }
0xc4: {  	[tilespmem:$0x4220] =	vst v1  }
0xc5: {  	[tilespmem:$0x4230] =	vst v1  }
0xc6: {  	[tilespmem:$0x4240] =	vst v1  }
0xc7: {  	[tilespmem:$0x4250] =	vst v1  }
0xc8: {  	[tilespmem:$0x4260] =	vst v1  }
0xc9: {  	[tilespmem:$0x4270] =	vst v1  }
0xca: {  	[tilespmem:$0x4600] =	vst v1  }
0xcb: {  	[tilespmem:$0x4610] =	vst v1  }
0xcc: {  	[tilespmem:$0x4620] =	vst v1  }
0xcd: {  	[tilespmem:$0x4630] =	vst v1  }
0xce: {  	[tilespmem:$0x4640] =	vst v1  }
0xcf: {  	[tilespmem:$0x4650] =	vst v1  }
0xd0: {  	[tilespmem:$0x4660] =	vst v1  }
0xd1: {  	[tilespmem:$0x4670] =	vst v1  }
0xd2: {  	[tilespmem:$0x4280] =	vst v1  }
0xd3: {  	[tilespmem:$0x4290] =	vst v1  }
0xd4: {  	[tilespmem:$0x42A0] =	vst v1  }
0xd5: {  	[tilespmem:$0x42B0] =	vst v1  }
0xd6: {  	[tilespmem:$0x42C0] =	vst v1  }
0xd7: {  	[tilespmem:$0x42D0] =	vst v1  }
0xd8: {  	[tilespmem:$0x42E0] =	vst v1  }
0xd9: {  	[tilespmem:$0x42F0] =	vst v1  }
0xda: {  	[tilespmem:$0x4680] =	vst v1  }
0xdb: {  	[tilespmem:$0x4690] =	vst v1  }
0xdc: {  	[tilespmem:$0x46A0] =	vst v1  }
0xdd: {  	[tilespmem:$0x46B0] =	vst v1  }
0xde: {  	[tilespmem:$0x46C0] =	vst v1  }
0xdf: {  	[tilespmem:$0x46D0] =	vst v1  }
0xe0: {  	[tilespmem:$0x46E0] =	vst v1  }
0xe1: {  	[tilespmem:$0x46F0] =	vst v1  }
0xe2: {  	[tilespmem:$0x4300] =	vst v1  }
0xe3: {  	[tilespmem:$0x4310] =	vst v1  }
0xe4: {  	[tilespmem:$0x4320] =	vst v1  }
0xe5: {  	[tilespmem:$0x4330] =	vst v1  }
0xe6: {  	[tilespmem:$0x4340] =	vst v1  }
0xe7: {  	[tilespmem:$0x4350] =	vst v1  }
0xe8: {  	[tilespmem:$0x4360] =	vst v1  }
0xe9: {  	[tilespmem:$0x4370] =	vst v1  }
0xea: {  	[tilespmem:$0x4700] =	vst v1  }
0xeb: {  	[tilespmem:$0x4710] =	vst v1  }
0xec: {  	[tilespmem:$0x4720] =	vst v1  }
0xed: {  	[tilespmem:$0x4730] =	vst v1  }
0xee: {  	[tilespmem:$0x4740] =	vst v1  }
0xef: {  	[tilespmem:$0x4750] =	vst v1  }
0xf0: {  	[tilespmem:$0x4760] =	vst v1  }
0xf1: {  	[tilespmem:$0x4770] =	vst v1  }
0xf2: {  	[tilespmem:$0x4380] =	vst v1  }
0xf3: {  	[tilespmem:$0x4390] =	vst v1  }
0xf4: {  	[tilespmem:$0x43A0] =	vst v1  }
0xf5: {  	[tilespmem:$0x43B0] =	vst v1  }
0xf6: {  	[tilespmem:$0x43C0] =	vst v1  }
0xf7: {  	[tilespmem:$0x43D0] =	vst v1  }
0xf8: {  	[tilespmem:$0x43E0] =	vst v1  }
0xf9: {  	[tilespmem:$0x43F0] =	vst v1  }
0xfa: {  	[tilespmem:$0x4780] =	vst v1  }
0xfb: {  	[tilespmem:$0x4790] =	vst v1  }
0xfc: {  	[tilespmem:$0x47A0] =	vst v1  }
0xfd: {  	[tilespmem:$0x47B0] =	vst v1  }
0xfe: {  	[tilespmem:$0x47C0] =	vst v1  }
0xff: {  	[tilespmem:$0x47D0] =	vst v1  }
0x100: {  	[tilespmem:$0x47E0] =	vst v1  }
0x101: {  	[tilespmem:$0x47F0] =	vst v1  }
0x102: {  	[tilespmem:$0x4400] =	vst v1  }
0x103: {  	[tilespmem:$0x4410] =	vst v1  }
0x104: {  	[tilespmem:$0x4420] =	vst v1  }
0x105: {  	[tilespmem:$0x4430] =	vst v1  }
0x106: {  	[tilespmem:$0x4440] =	vst v1  }
0x107: {  	[tilespmem:$0x4450] =	vst v1  }
0x108: {  	[tilespmem:$0x4460] =	vst v1  }
0x109: {  	[tilespmem:$0x4470] =	vst v1  }
0x10a: {  	[tilespmem:$0x4800] =	vst v1  }
0x10b: {  	[tilespmem:$0x4810] =	vst v1  }
0x10c: {  	[tilespmem:$0x4820] =	vst v1  }
0x10d: {  	[tilespmem:$0x4830] =	vst v1  }
0x10e: {  	[tilespmem:$0x4840] =	vst v1  }
0x10f: {  	[tilespmem:$0x4850] =	vst v1  }
0x110: {  	[tilespmem:$0x4860] =	vst v1  }
0x111: {  	[tilespmem:$0x4870] =	vst v1  }
0x112: {  	[tilespmem:$0x4880] =	vst v1  }
0x113: {  	[tilespmem:$0x4890] =	vst v1  }
0x114: {  	[tilespmem:$0x48A0] =	vst v1  }
0x115: {  	[tilespmem:$0x48B0] =	vst v1  }
0x116: {  	[tilespmem:$0x48C0] =	vst v1  }
0x117: {  	[tilespmem:$0x48D0] =	vst v1  }
0x118: {  	[tilespmem:$0x48E0] =	vst v1  }
0x119: {  	[tilespmem:$0x48F0] =	vst v1  }
0x11a: {  	[tilespmem:$0x4C80] =	vst v1  }
0x11b: {  	[tilespmem:$0x4C90] =	vst v1  }
0x11c: {  	[tilespmem:$0x4CA0] =	vst v1  }
0x11d: {  	[tilespmem:$0x4CB0] =	vst v1  }
0x11e: {  	[tilespmem:$0x4CC0] =	vst v1  }
0x11f: {  	[tilespmem:$0x4CD0] =	vst v1  }
0x120: {  	[tilespmem:$0x4CE0] =	vst v1  }
0x121: {  	[tilespmem:$0x4CF0] =	vst v1  }
0x122: {  	[tilespmem:$0x4900] =	vst v1  }
0x123: {  	[tilespmem:$0x4910] =	vst v1  }
0x124: {  	[tilespmem:$0x4920] =	vst v1  }
0x125: {  	[tilespmem:$0x4930] =	vst v1  }
0x126: {  	[tilespmem:$0x4940] =	vst v1  }
0x127: {  	[tilespmem:$0x4950] =	vst v1  }
0x128: {  	[tilespmem:$0x4960] =	vst v1  }
0x129: {  	[tilespmem:$0x4970] =	vst v1  }
0x12a: {  	[tilespmem:$0x4D00] =	vst v1  }
0x12b: {  	[tilespmem:$0x4D10] =	vst v1  }
0x12c: {  	[tilespmem:$0x4D20] =	vst v1  }
0x12d: {  	[tilespmem:$0x4D30] =	vst v1  }
0x12e: {  	[tilespmem:$0x4D40] =	vst v1  }
0x12f: {  	[tilespmem:$0x4D50] =	vst v1  }
0x130: {  	[tilespmem:$0x4D60] =	vst v1  }
0x131: {  	[tilespmem:$0x4D70] =	vst v1  }
0x132: {  	[tilespmem:$0x4980] =	vst v1  }
0x133: {  	[tilespmem:$0x4990] =	vst v1  }
0x134: {  	[tilespmem:$0x49A0] =	vst v1  }
0x135: {  	[tilespmem:$0x49B0] =	vst v1  }
0x136: {  	[tilespmem:$0x49C0] =	vst v1  }
0x137: {  	[tilespmem:$0x49D0] =	vst v1  }
0x138: {  	[tilespmem:$0x49E0] =	vst v1  }
0x139: {  	[tilespmem:$0x49F0] =	vst v1  }
0x13a: {  	[tilespmem:$0x4D80] =	vst v1  }
0x13b: {  	[tilespmem:$0x4D90] =	vst v1  }
0x13c: {  	[tilespmem:$0x4DA0] =	vst v1  }
0x13d: {  	[tilespmem:$0x4DB0] =	vst v1  }
0x13e: {  	[tilespmem:$0x4DC0] =	vst v1  }
0x13f: {  	[tilespmem:$0x4DD0] =	vst v1  }
0x140: {  	[tilespmem:$0x4DE0] =	vst v1  }
0x141: {  	[tilespmem:$0x4DF0] =	vst v1  }
0x142: {  	[tilespmem:$0x4A00] =	vst v1  }
0x143: {  	[tilespmem:$0x4A10] =	vst v1  }
0x144: {  	[tilespmem:$0x4A20] =	vst v1  }
0x145: {  	[tilespmem:$0x4A30] =	vst v1  }
0x146: {  	[tilespmem:$0x4A40] =	vst v1  }
0x147: {  	[tilespmem:$0x4A50] =	vst v1  }
0x148: {  	[tilespmem:$0x4A60] =	vst v1  }
0x149: {  	[tilespmem:$0x4A70] =	vst v1  }
0x14a: {  	[tilespmem:$0x4E00] =	vst v1  }
0x14b: {  	[tilespmem:$0x4E10] =	vst v1  }
0x14c: {  	[tilespmem:$0x4E20] =	vst v1  }
0x14d: {  	[tilespmem:$0x4E30] =	vst v1  }
0x14e: {  	[tilespmem:$0x4E40] =	vst v1  }
0x14f: {  	[tilespmem:$0x4E50] =	vst v1  }
0x150: {  	[tilespmem:$0x4E60] =	vst v1  }
0x151: {  	[tilespmem:$0x4E70] =	vst v1  }
0x152: {  	[tilespmem:$0x4A80] =	vst v1  }
0x153: {  	[tilespmem:$0x4A90] =	vst v1  }
0x154: {  	[tilespmem:$0x4AA0] =	vst v1  }
0x155: {  	[tilespmem:$0x4AB0] =	vst v1  }
0x156: {  	[tilespmem:$0x4AC0] =	vst v1  }
0x157: {  	[tilespmem:$0x4AD0] =	vst v1  }
0x158: {  	[tilespmem:$0x4AE0] =	vst v1  }
0x159: {  	[tilespmem:$0x4AF0] =	vst v1  }
0x15a: {  	[tilespmem:$0x4E80] =	vst v1  }
0x15b: {  	[tilespmem:$0x4E90] =	vst v1  }
0x15c: {  	[tilespmem:$0x4EA0] =	vst v1  }
0x15d: {  	[tilespmem:$0x4EB0] =	vst v1  }
0x15e: {  	[tilespmem:$0x4EC0] =	vst v1  }
0x15f: {  	[tilespmem:$0x4ED0] =	vst v1  }
0x160: {  	[tilespmem:$0x4EE0] =	vst v1  }
0x161: {  	[tilespmem:$0x4EF0] =	vst v1  }
0x162: {  	[tilespmem:$0x4B00] =	vst v1  }
0x163: {  	[tilespmem:$0x4B10] =	vst v1  }
0x164: {  	[tilespmem:$0x4B20] =	vst v1  }
0x165: {  	[tilespmem:$0x4B30] =	vst v1  }
0x166: {  	[tilespmem:$0x4B40] =	vst v1  }
0x167: {  	[tilespmem:$0x4B50] =	vst v1  }
0x168: {  	[tilespmem:$0x4B60] =	vst v1  }
0x169: {  	[tilespmem:$0x4B70] =	vst v1  }
0x16a: {  	[tilespmem:$0x4F00] =	vst v1  }
0x16b: {  	[tilespmem:$0x4F10] =	vst v1  }
0x16c: {  	[tilespmem:$0x4F20] =	vst v1  }
0x16d: {  	[tilespmem:$0x4F30] =	vst v1  }
0x16e: {  	[tilespmem:$0x4F40] =	vst v1  }
0x16f: {  	[tilespmem:$0x4F50] =	vst v1  }
0x170: {  	[tilespmem:$0x4F60] =	vst v1  }
0x171: {  	[tilespmem:$0x4F70] =	vst v1  }
0x172: {  	[tilespmem:$0x4B80] =	vst v1  }
0x173: {  	[tilespmem:$0x4B90] =	vst v1  }
0x174: {  	[tilespmem:$0x4BA0] =	vst v1  }
0x175: {  	[tilespmem:$0x4BB0] =	vst v1  }
0x176: {  	[tilespmem:$0x4BC0] =	vst v1  }
0x177: {  	[tilespmem:$0x4BD0] =	vst v1  }
0x178: {  	[tilespmem:$0x4BE0] =	vst v1  }
0x179: {  	[tilespmem:$0x4BF0] =	vst v1  }
0x17a: {  	[tilespmem:$0x4F80] =	vst v1  }
0x17b: {  	[tilespmem:$0x4F90] =	vst v1  }
0x17c: {  	[tilespmem:$0x4FA0] =	vst v1  }
0x17d: {  	[tilespmem:$0x4FB0] =	vst v1  }
0x17e: {  	[tilespmem:$0x4FC0] =	vst v1  }
0x17f: {  	[tilespmem:$0x4FD0] =	vst v1  }
0x180: {  	[tilespmem:$0x4FE0] =	vst v1  }
0x181: {  	[tilespmem:$0x4FF0] =	vst v1  }
0x182: {  	[tilespmem:$0x4C00] =	vst v1  }
0x183: {  	[tilespmem:$0x4C10] =	vst v1  }
0x184: {  	[tilespmem:$0x4C20] =	vst v1  }
0x185: {  	[tilespmem:$0x4C30] =	vst v1  }
0x186: {  	[tilespmem:$0x4C40] =	vst v1  }
0x187: {  	[tilespmem:$0x4C50] =	vst v1  }
0x188: {  	[tilespmem:$0x4C60] =	vst v1  }
0x189: {  	[tilespmem:$0x4C70] =	vst v1  }
0x18a: {  	[tilespmem:$0x5000] =	vst v1  }
0x18b: {  	[tilespmem:$0x5010] =	vst v1  }
0x18c: {  	[tilespmem:$0x5020] =	vst v1  }
0x18d: {  	[tilespmem:$0x5030] =	vst v1  }
0x18e: {  	[tilespmem:$0x5040] =	vst v1  }
0x18f: {  	[tilespmem:$0x5050] =	vst v1  }
0x190: {  	[tilespmem:$0x5060] =	vst v1  }
0x191: {  	[tilespmem:$0x5070] =	vst v1  }
0x192: {  	[tilespmem:$0x5080] =	vst v1  }
0x193: {  	[tilespmem:$0x5090] =	vst v1  }
0x194: {  	[tilespmem:$0x50A0] =	vst v1  }
0x195: {  	[tilespmem:$0x50B0] =	vst v1  }
0x196: {  	[tilespmem:$0x50C0] =	vst v1  }
0x197: {  	[tilespmem:$0x50D0] =	vst v1  }
0x198: {  	[tilespmem:$0x50E0] =	vst v1  }
0x199: {  	[tilespmem:$0x50F0] =	vst v1  }
0x19a: {  	[tilespmem:$0x5480] =	vst v1  }
0x19b: {  	[tilespmem:$0x5490] =	vst v1  }
0x19c: {  	[tilespmem:$0x54A0] =	vst v1  }
0x19d: {  	[tilespmem:$0x54B0] =	vst v1  }
0x19e: {  	[tilespmem:$0x54C0] =	vst v1  }
0x19f: {  	[tilespmem:$0x54D0] =	vst v1  }
0x1a0: {  	[tilespmem:$0x54E0] =	vst v1  }
0x1a1: {  	[tilespmem:$0x54F0] =	vst v1  }
0x1a2: {  	[tilespmem:$0x5100] =	vst v1  }
0x1a3: {  	[tilespmem:$0x5110] =	vst v1  }
0x1a4: {  	[tilespmem:$0x5120] =	vst v1  }
0x1a5: {  	[tilespmem:$0x5130] =	vst v1  }
0x1a6: {  	[tilespmem:$0x5140] =	vst v1  }
0x1a7: {  	[tilespmem:$0x5150] =	vst v1  }
0x1a8: {  	[tilespmem:$0x5160] =	vst v1  }
0x1a9: {  	[tilespmem:$0x5170] =	vst v1  }
0x1aa: {  	[tilespmem:$0x5500] =	vst v1  }
0x1ab: {  	[tilespmem:$0x5510] =	vst v1  }
0x1ac: {  	[tilespmem:$0x5520] =	vst v1  }
0x1ad: {  	[tilespmem:$0x5530] =	vst v1  }
0x1ae: {  	[tilespmem:$0x5540] =	vst v1  }
0x1af: {  	[tilespmem:$0x5550] =	vst v1  }
0x1b0: {  	[tilespmem:$0x5560] =	vst v1  }
0x1b1: {  	[tilespmem:$0x5570] =	vst v1  }
0x1b2: {  	[tilespmem:$0x5180] =	vst v1  }
0x1b3: {  	[tilespmem:$0x5190] =	vst v1  }
0x1b4: {  	[tilespmem:$0x51A0] =	vst v1  }
0x1b5: {  	[tilespmem:$0x51B0] =	vst v1  }
0x1b6: {  	[tilespmem:$0x51C0] =	vst v1  }
0x1b7: {  	[tilespmem:$0x51D0] =	vst v1  }
0x1b8: {  	[tilespmem:$0x51E0] =	vst v1  }
0x1b9: {  	[tilespmem:$0x51F0] =	vst v1  }
0x1ba: {  	[tilespmem:$0x5580] =	vst v1  }
0x1bb: {  	[tilespmem:$0x5590] =	vst v1  }
0x1bc: {  	[tilespmem:$0x55A0] =	vst v1  }
0x1bd: {  	[tilespmem:$0x55B0] =	vst v1  }
0x1be: {  	[tilespmem:$0x55C0] =	vst v1  }
0x1bf: {  	[tilespmem:$0x55D0] =	vst v1  }
0x1c0: {  	[tilespmem:$0x55E0] =	vst v1  }
0x1c1: {  	[tilespmem:$0x55F0] =	vst v1  }
0x1c2: {  	[tilespmem:$0x5200] =	vst v1  }
0x1c3: {  	[tilespmem:$0x5210] =	vst v1  }
0x1c4: {  	[tilespmem:$0x5220] =	vst v1  }
0x1c5: {  	[tilespmem:$0x5230] =	vst v1  }
0x1c6: {  	[tilespmem:$0x5240] =	vst v1  }
0x1c7: {  	[tilespmem:$0x5250] =	vst v1  }
0x1c8: {  	[tilespmem:$0x5260] =	vst v1  }
0x1c9: {  	[tilespmem:$0x5270] =	vst v1  }
0x1ca: {  	[tilespmem:$0x5600] =	vst v1  }
0x1cb: {  	[tilespmem:$0x5610] =	vst v1  }
0x1cc: {  	[tilespmem:$0x5620] =	vst v1  }
0x1cd: {  	[tilespmem:$0x5630] =	vst v1  }
0x1ce: {  	[tilespmem:$0x5640] =	vst v1  }
0x1cf: {  	[tilespmem:$0x5650] =	vst v1  }
0x1d0: {  	[tilespmem:$0x5660] =	vst v1  }
0x1d1: {  	[tilespmem:$0x5670] =	vst v1  }
0x1d2: {  	[tilespmem:$0x5280] =	vst v1  }
0x1d3: {  	[tilespmem:$0x5290] =	vst v1  }
0x1d4: {  	[tilespmem:$0x52A0] =	vst v1  }
0x1d5: {  	[tilespmem:$0x52B0] =	vst v1  }
0x1d6: {  	[tilespmem:$0x52C0] =	vst v1  }
0x1d7: {  	[tilespmem:$0x52D0] =	vst v1  }
0x1d8: {  	[tilespmem:$0x52E0] =	vst v1  }
0x1d9: {  	[tilespmem:$0x52F0] =	vst v1  }
0x1da: {  	[tilespmem:$0x5680] =	vst v1  }
0x1db: {  	[tilespmem:$0x5690] =	vst v1  }
0x1dc: {  	[tilespmem:$0x56A0] =	vst v1  }
0x1dd: {  	[tilespmem:$0x56B0] =	vst v1  }
0x1de: {  	[tilespmem:$0x56C0] =	vst v1  }
0x1df: {  	[tilespmem:$0x56D0] =	vst v1  }
0x1e0: {  	[tilespmem:$0x56E0] =	vst v1  }
0x1e1: {  	[tilespmem:$0x56F0] =	vst v1  }
0x1e2: {  	[tilespmem:$0x5300] =	vst v1  }
0x1e3: {  	[tilespmem:$0x5310] =	vst v1  }
0x1e4: {  	[tilespmem:$0x5320] =	vst v1  }
0x1e5: {  	[tilespmem:$0x5330] =	vst v1  }
0x1e6: {  	[tilespmem:$0x5340] =	vst v1  }
0x1e7: {  	[tilespmem:$0x5350] =	vst v1  }
0x1e8: {  	[tilespmem:$0x5360] =	vst v1  }
0x1e9: {  	[tilespmem:$0x5370] =	vst v1  }
0x1ea: {  	[tilespmem:$0x5700] =	vst v1  }
0x1eb: {  	[tilespmem:$0x5710] =	vst v1  }
0x1ec: {  	[tilespmem:$0x5720] =	vst v1  }
0x1ed: {  	[tilespmem:$0x5730] =	vst v1  }
0x1ee: {  	[tilespmem:$0x5740] =	vst v1  }
0x1ef: {  	[tilespmem:$0x5750] =	vst v1  }
0x1f0: {  	[tilespmem:$0x5760] =	vst v1  }
0x1f1: {  	[tilespmem:$0x5770] =	vst v1  }
0x1f2: {  	[tilespmem:$0x5380] =	vst v1  }
0x1f3: {  	[tilespmem:$0x5390] =	vst v1  }
0x1f4: {  	[tilespmem:$0x53A0] =	vst v1  }
0x1f5: {  	[tilespmem:$0x53B0] =	vst v1  }
0x1f6: {  	[tilespmem:$0x53C0] =	vst v1  }
0x1f7: {  	[tilespmem:$0x53D0] =	vst v1  }
0x1f8: {  	[tilespmem:$0x53E0] =	vst v1  }
0x1f9: {  	[tilespmem:$0x53F0] =	vst v1  }
0x1fa: {  	[tilespmem:$0x5780] =	vst v1  }
0x1fb: {  	[tilespmem:$0x5790] =	vst v1  }
0x1fc: {  	[tilespmem:$0x57A0] =	vst v1  }
0x1fd: {  	[tilespmem:$0x57B0] =	vst v1  }
0x1fe: {  	[tilespmem:$0x57C0] =	vst v1  }
0x1ff: {  	[tilespmem:$0x57D0] =	vst v1  }
0x200: {  	[tilespmem:$0x57E0] =	vst v1  }
0x201: {  	[tilespmem:$0x57F0] =	vst v1  }
0x202: {  	[tilespmem:$0x5400] =	vst v1  }
0x203: {  	[tilespmem:$0x5410] =	vst v1  }
0x204: {  	[tilespmem:$0x5420] =	vst v1  }
0x205: {  	[tilespmem:$0x5430] =	vst v1  }
0x206: {  	[tilespmem:$0x5440] =	vst v1  }
0x207: {  	[tilespmem:$0x5450] =	vst v1  }
0x208: {  	[tilespmem:$0x5460] =	vst v1  }
0x209: {  	[tilespmem:$0x5470] =	vst v1  }
0x20a: {  	[tilespmem:$0x5800] =	vst v1  }
0x20b: {  	[tilespmem:$0x5810] =	vst v1  }
0x20c: {  	[tilespmem:$0x5820] =	vst v1  }
0x20d: {  	[tilespmem:$0x5830] =	vst v1  }
0x20e: {  	[tilespmem:$0x5840] =	vst v1  }
0x20f: {  	[tilespmem:$0x5850] =	vst v1  }
0x210: {  	[tilespmem:$0x5860] =	vst v1  }
0x211: {  	[tilespmem:$0x5870] =	vst v1  }
0x212: {  	[tilespmem:$0x5880] =	vst v1  }
0x213: {  	[tilespmem:$0x5890] =	vst v1  }
0x214: {  	[tilespmem:$0x58A0] =	vst v1  }
0x215: {  	[tilespmem:$0x58B0] =	vst v1  }
0x216: {  	[tilespmem:$0x58C0] =	vst v1  }
0x217: {  	[tilespmem:$0x58D0] =	vst v1  }
0x218: {  	[tilespmem:$0x58E0] =	vst v1  }
0x219: {  	[tilespmem:$0x58F0] =	vst v1  }
0x21a: {  	[tilespmem:$0x5C80] =	vst v1  }
0x21b: {  	[tilespmem:$0x5C90] =	vst v1  }
0x21c: {  	[tilespmem:$0x5CA0] =	vst v1  }
0x21d: {  	[tilespmem:$0x5CB0] =	vst v1  }
0x21e: {  	[tilespmem:$0x5CC0] =	vst v1  }
0x21f: {  	[tilespmem:$0x5CD0] =	vst v1  }
0x220: {  	[tilespmem:$0x5CE0] =	vst v1  }
0x221: {  	[tilespmem:$0x5CF0] =	vst v1  }
0x222: {  	[tilespmem:$0x5900] =	vst v1  }
0x223: {  	[tilespmem:$0x5910] =	vst v1  }
0x224: {  	[tilespmem:$0x5920] =	vst v1  }
0x225: {  	[tilespmem:$0x5930] =	vst v1  }
0x226: {  	[tilespmem:$0x5940] =	vst v1  }
0x227: {  	[tilespmem:$0x5950] =	vst v1  }
0x228: {  	[tilespmem:$0x5960] =	vst v1  }
0x229: {  	[tilespmem:$0x5970] =	vst v1  }
0x22a: {  	[tilespmem:$0x5D00] =	vst v1  }
0x22b: {  	[tilespmem:$0x5D10] =	vst v1  }
0x22c: {  	[tilespmem:$0x5D20] =	vst v1  }
0x22d: {  	[tilespmem:$0x5D30] =	vst v1  }
0x22e: {  	[tilespmem:$0x5D40] =	vst v1  }
0x22f: {  	[tilespmem:$0x5D50] =	vst v1  }
0x230: {  	[tilespmem:$0x5D60] =	vst v1  }
0x231: {  	[tilespmem:$0x5D70] =	vst v1  }
0x232: {  	[tilespmem:$0x5980] =	vst v1  }
0x233: {  	[tilespmem:$0x5990] =	vst v1  }
0x234: {  	[tilespmem:$0x59A0] =	vst v1  }
0x235: {  	[tilespmem:$0x59B0] =	vst v1  }
0x236: {  	[tilespmem:$0x59C0] =	vst v1  }
0x237: {  	[tilespmem:$0x59D0] =	vst v1  }
0x238: {  	[tilespmem:$0x59E0] =	vst v1  }
0x239: {  	[tilespmem:$0x59F0] =	vst v1  }
0x23a: {  	[tilespmem:$0x5D80] =	vst v1  }
0x23b: {  	[tilespmem:$0x5D90] =	vst v1  }
0x23c: {  	[tilespmem:$0x5DA0] =	vst v1  }
0x23d: {  	[tilespmem:$0x5DB0] =	vst v1  }
0x23e: {  	[tilespmem:$0x5DC0] =	vst v1  }
0x23f: {  	[tilespmem:$0x5DD0] =	vst v1  }
0x240: {  	[tilespmem:$0x5DE0] =	vst v1  }
0x241: {  	[tilespmem:$0x5DF0] =	vst v1  }
0x242: {  	[tilespmem:$0x5A00] =	vst v1  }
0x243: {  	[tilespmem:$0x5A10] =	vst v1  }
0x244: {  	[tilespmem:$0x5A20] =	vst v1  }
0x245: {  	[tilespmem:$0x5A30] =	vst v1  }
0x246: {  	[tilespmem:$0x5A40] =	vst v1  }
0x247: {  	[tilespmem:$0x5A50] =	vst v1  }
0x248: {  	[tilespmem:$0x5A60] =	vst v1  }
0x249: {  	[tilespmem:$0x5A70] =	vst v1  }
0x24a: {  	[tilespmem:$0x5E00] =	vst v1  }
0x24b: {  	[tilespmem:$0x5E10] =	vst v1  }
0x24c: {  	[tilespmem:$0x5E20] =	vst v1  }
0x24d: {  	[tilespmem:$0x5E30] =	vst v1  }
0x24e: {  	[tilespmem:$0x5E40] =	vst v1  }
0x24f: {  	[tilespmem:$0x5E50] =	vst v1  }
0x250: {  	[tilespmem:$0x5E60] =	vst v1  }
0x251: {  	[tilespmem:$0x5E70] =	vst v1  }
0x252: {  	[tilespmem:$0x5A80] =	vst v1  }
0x253: {  	[tilespmem:$0x5A90] =	vst v1  }
0x254: {  	[tilespmem:$0x5AA0] =	vst v1  }
0x255: {  	[tilespmem:$0x5AB0] =	vst v1  }
0x256: {  	[tilespmem:$0x5AC0] =	vst v1  }
0x257: {  	[tilespmem:$0x5AD0] =	vst v1  }
0x258: {  	[tilespmem:$0x5AE0] =	vst v1  }
0x259: {  	[tilespmem:$0x5AF0] =	vst v1  }
0x25a: {  	[tilespmem:$0x5E80] =	vst v1  }
0x25b: {  	[tilespmem:$0x5E90] =	vst v1  }
0x25c: {  	[tilespmem:$0x5EA0] =	vst v1  }
0x25d: {  	[tilespmem:$0x5EB0] =	vst v1  }
0x25e: {  	[tilespmem:$0x5EC0] =	vst v1  }
0x25f: {  	[tilespmem:$0x5ED0] =	vst v1  }
0x260: {  	[tilespmem:$0x5EE0] =	vst v1  }
0x261: {  	[tilespmem:$0x5EF0] =	vst v1  }
0x262: {  	[tilespmem:$0x5B00] =	vst v1  }
0x263: {  	[tilespmem:$0x5B10] =	vst v1  }
0x264: {  	[tilespmem:$0x5B20] =	vst v1  }
0x265: {  	[tilespmem:$0x5B30] =	vst v1  }
0x266: {  	[tilespmem:$0x5B40] =	vst v1  }
0x267: {  	[tilespmem:$0x5B50] =	vst v1  }
0x268: {  	[tilespmem:$0x5B60] =	vst v1  }
0x269: {  	[tilespmem:$0x5B70] =	vst v1  }
0x26a: {  	[tilespmem:$0x5F00] =	vst v1  }
0x26b: {  	[tilespmem:$0x5F10] =	vst v1  }
0x26c: {  	[tilespmem:$0x5F20] =	vst v1  }
0x26d: {  	[tilespmem:$0x5F30] =	vst v1  }
0x26e: {  	[tilespmem:$0x5F40] =	vst v1  }
0x26f: {  	[tilespmem:$0x5F50] =	vst v1  }
0x270: {  	[tilespmem:$0x5F60] =	vst v1  }
0x271: {  	[tilespmem:$0x5F70] =	vst v1  }
0x272: {  	[tilespmem:$0x5B80] =	vst v1  }
0x273: {  	[tilespmem:$0x5B90] =	vst v1  }
0x274: {  	[tilespmem:$0x5BA0] =	vst v1  }
0x275: {  	[tilespmem:$0x5BB0] =	vst v1  }
0x276: {  	[tilespmem:$0x5BC0] =	vst v1  }
0x277: {  	[tilespmem:$0x5BD0] =	vst v1  }
0x278: {  	[tilespmem:$0x5BE0] =	vst v1  }
0x279: {  	[tilespmem:$0x5BF0] =	vst v1  }
0x27a: {  	[tilespmem:$0x5F80] =	vst v1  }
0x27b: {  	[tilespmem:$0x5F90] =	vst v1  }
0x27c: {  	[tilespmem:$0x5FA0] =	vst v1  }
0x27d: {  	[tilespmem:$0x5FB0] =	vst v1  }
0x27e: {  	[tilespmem:$0x5FC0] =	vst v1  }
0x27f: {  	[tilespmem:$0x5FD0] =	vst v1  }
0x280: {  	[tilespmem:$0x5FE0] =	vst v1  }
0x281: {  	[tilespmem:$0x5FF0] =	vst v1  }
0x282: {  	[tilespmem:$0x5C00] =	vst v1  }
0x283: {  	[tilespmem:$0x5C10] =	vst v1  }
0x284: {  	[tilespmem:$0x5C20] =	vst v1  }
0x285: {  	[tilespmem:$0x5C30] =	vst v1  }
0x286: {  	[tilespmem:$0x5C40] =	vst v1  }
0x287: {  	[tilespmem:$0x5C50] =	vst v1  }
0x288: {  	[tilespmem:$0x5C60] =	vst v1  }
0x289: {  	[tilespmem:$0x5C70] =	vst v1  }
0x28a: {  	[tilespmem:$0x6000] =	vst v1  }
0x28b: {  	[tilespmem:$0x6010] =	vst v1  }
0x28c: {  	[tilespmem:$0x6020] =	vst v1  }
0x28d: {  	[tilespmem:$0x6030] =	vst v1  }
0x28e: {  	[tilespmem:$0x6040] =	vst v1  }
0x28f: {  	[tilespmem:$0x6050] =	vst v1  }
0x290: {  	[tilespmem:$0x6060] =	vst v1  }
0x291: {  	[tilespmem:$0x6070] =	vst v1  }
0x292: {  	[tilespmem:$0x6080] =	vst v1  }
0x293: {  	[tilespmem:$0x6090] =	vst v1  }
0x294: {  	[tilespmem:$0x60A0] =	vst v1  }
0x295: {  	[tilespmem:$0x60B0] =	vst v1  }
0x296: {  	[tilespmem:$0x60C0] =	vst v1  }
0x297: {  	[tilespmem:$0x60D0] =	vst v1  }
0x298: {  	[tilespmem:$0x60E0] =	vst v1  }
0x299: {  	[tilespmem:$0x60F0] =	vst v1  }
0x29a: {  	[tilespmem:$0x6480] =	vst v1  }
0x29b: {  	[tilespmem:$0x6490] =	vst v1  }
0x29c: {  	[tilespmem:$0x64A0] =	vst v1  }
0x29d: {  	[tilespmem:$0x64B0] =	vst v1  }
0x29e: {  	[tilespmem:$0x64C0] =	vst v1  }
0x29f: {  	[tilespmem:$0x64D0] =	vst v1  }
0x2a0: {  	[tilespmem:$0x64E0] =	vst v1  }
0x2a1: {  	[tilespmem:$0x64F0] =	vst v1  }
0x2a2: {  	[tilespmem:$0x6100] =	vst v1  }
0x2a3: {  	[tilespmem:$0x6110] =	vst v1  }
0x2a4: {  	[tilespmem:$0x6120] =	vst v1  }
0x2a5: {  	[tilespmem:$0x6130] =	vst v1  }
0x2a6: {  	[tilespmem:$0x6140] =	vst v1  }
0x2a7: {  	[tilespmem:$0x6150] =	vst v1  }
0x2a8: {  	[tilespmem:$0x6160] =	vst v1  }
0x2a9: {  	[tilespmem:$0x6170] =	vst v1  }
0x2aa: {  	[tilespmem:$0x6500] =	vst v1  }
0x2ab: {  	[tilespmem:$0x6510] =	vst v1  }
0x2ac: {  	[tilespmem:$0x6520] =	vst v1  }
0x2ad: {  	[tilespmem:$0x6530] =	vst v1  }
0x2ae: {  	[tilespmem:$0x6540] =	vst v1  }
0x2af: {  	[tilespmem:$0x6550] =	vst v1  }
0x2b0: {  	[tilespmem:$0x6560] =	vst v1  }
0x2b1: {  	[tilespmem:$0x6570] =	vst v1  }
0x2b2: {  	[tilespmem:$0x6180] =	vst v1  }
0x2b3: {  	[tilespmem:$0x6190] =	vst v1  }
0x2b4: {  	[tilespmem:$0x61A0] =	vst v1  }
0x2b5: {  	[tilespmem:$0x61B0] =	vst v1  }
0x2b6: {  	[tilespmem:$0x61C0] =	vst v1  }
0x2b7: {  	[tilespmem:$0x61D0] =	vst v1  }
0x2b8: {  	[tilespmem:$0x61E0] =	vst v1  }
0x2b9: {  	[tilespmem:$0x61F0] =	vst v1  }
0x2ba: {  	[tilespmem:$0x6580] =	vst v1  }
0x2bb: {  	[tilespmem:$0x6590] =	vst v1  }
0x2bc: {  	[tilespmem:$0x65A0] =	vst v1  }
0x2bd: {  	[tilespmem:$0x65B0] =	vst v1  }
0x2be: {  	[tilespmem:$0x65C0] =	vst v1  }
0x2bf: {  	[tilespmem:$0x65D0] =	vst v1  }
0x2c0: {  	[tilespmem:$0x65E0] =	vst v1  }
0x2c1: {  	[tilespmem:$0x65F0] =	vst v1  }
0x2c2: {  	[tilespmem:$0x6200] =	vst v1  }
0x2c3: {  	[tilespmem:$0x6210] =	vst v1  }
0x2c4: {  	[tilespmem:$0x6220] =	vst v1  }
0x2c5: {  	[tilespmem:$0x6230] =	vst v1  }
0x2c6: {  	[tilespmem:$0x6240] =	vst v1  }
0x2c7: {  	[tilespmem:$0x6250] =	vst v1  }
0x2c8: {  	[tilespmem:$0x6260] =	vst v1  }
0x2c9: {  	[tilespmem:$0x6270] =	vst v1  }
0x2ca: {  	[tilespmem:$0x6600] =	vst v1  }
0x2cb: {  	[tilespmem:$0x6610] =	vst v1  }
0x2cc: {  	[tilespmem:$0x6620] =	vst v1  }
0x2cd: {  	[tilespmem:$0x6630] =	vst v1  }
0x2ce: {  	[tilespmem:$0x6640] =	vst v1  }
0x2cf: {  	[tilespmem:$0x6650] =	vst v1  }
0x2d0: {  	[tilespmem:$0x6660] =	vst v1  }
0x2d1: {  	[tilespmem:$0x6670] =	vst v1  }
0x2d2: {  	[tilespmem:$0x6280] =	vst v1  }
0x2d3: {  	[tilespmem:$0x6290] =	vst v1  }
0x2d4: {  	[tilespmem:$0x62A0] =	vst v1  }
0x2d5: {  	[tilespmem:$0x62B0] =	vst v1  }
0x2d6: {  	[tilespmem:$0x62C0] =	vst v1  }
0x2d7: {  	[tilespmem:$0x62D0] =	vst v1  }
0x2d8: {  	[tilespmem:$0x62E0] =	vst v1  }
0x2d9: {  	[tilespmem:$0x62F0] =	vst v1  }
0x2da: {  	[tilespmem:$0x6680] =	vst v1  }
0x2db: {  	[tilespmem:$0x6690] =	vst v1  }
0x2dc: {  	[tilespmem:$0x66A0] =	vst v1  }
0x2dd: {  	[tilespmem:$0x66B0] =	vst v1  }
0x2de: {  	[tilespmem:$0x66C0] =	vst v1  }
0x2df: {  	[tilespmem:$0x66D0] =	vst v1  }
0x2e0: {  	[tilespmem:$0x66E0] =	vst v1  }
0x2e1: {  	[tilespmem:$0x66F0] =	vst v1  }
0x2e2: {  	[tilespmem:$0x6300] =	vst v1  }
0x2e3: {  	[tilespmem:$0x6310] =	vst v1  }
0x2e4: {  	[tilespmem:$0x6320] =	vst v1  }
0x2e5: {  	[tilespmem:$0x6330] =	vst v1  }
0x2e6: {  	[tilespmem:$0x6340] =	vst v1  }
0x2e7: {  	[tilespmem:$0x6350] =	vst v1  }
0x2e8: {  	[tilespmem:$0x6360] =	vst v1  }
0x2e9: {  	[tilespmem:$0x6370] =	vst v1  }
0x2ea: {  	[tilespmem:$0x6700] =	vst v1  }
0x2eb: {  	[tilespmem:$0x6710] =	vst v1  }
0x2ec: {  	[tilespmem:$0x6720] =	vst v1  }
0x2ed: {  	[tilespmem:$0x6730] =	vst v1  }
0x2ee: {  	[tilespmem:$0x6740] =	vst v1  }
0x2ef: {  	[tilespmem:$0x6750] =	vst v1  }
0x2f0: {  	[tilespmem:$0x6760] =	vst v1  }
0x2f1: {  	[tilespmem:$0x6770] =	vst v1  }
0x2f2: {  	[tilespmem:$0x6380] =	vst v1  }
0x2f3: {  	[tilespmem:$0x6390] =	vst v1  }
0x2f4: {  	[tilespmem:$0x63A0] =	vst v1  }
0x2f5: {  	[tilespmem:$0x63B0] =	vst v1  }
0x2f6: {  	[tilespmem:$0x63C0] =	vst v1  }
0x2f7: {  	[tilespmem:$0x63D0] =	vst v1  }
0x2f8: {  	[tilespmem:$0x63E0] =	vst v1  }
0x2f9: {  	[tilespmem:$0x63F0] =	vst v1  }
0x2fa: {  	[tilespmem:$0x6780] =	vst v1  }
0x2fb: {  	[tilespmem:$0x6790] =	vst v1  }
0x2fc: {  	[tilespmem:$0x67A0] =	vst v1  }
0x2fd: {  	[tilespmem:$0x67B0] =	vst v1  }
0x2fe: {  	[tilespmem:$0x67C0] =	vst v1  }
0x2ff: {  	[tilespmem:$0x67D0] =	vst v1  }
0x300: {  	[tilespmem:$0x67E0] =	vst v1  }
0x301: {  	[tilespmem:$0x67F0] =	vst v1  }
0x302: {  	[tilespmem:$0x6400] =	vst v1  }
0x303: {  	[tilespmem:$0x6410] =	vst v1  }
0x304: {  	[tilespmem:$0x6420] =	vst v1  }
0x305: {  	[tilespmem:$0x6430] =	vst v1  }
0x306: {  	[tilespmem:$0x6440] =	vst v1  }
0x307: {  	[tilespmem:$0x6450] =	vst v1  }
0x308: {  	[tilespmem:$0x6460] =	vst v1  }
0x309: {  	[tilespmem:$0x6470] =	vst v1  }
0x30a: {  	[tilespmem:$0x6800] =	vst v1  }
0x30b: {  	[tilespmem:$0x6810] =	vst v1  }
0x30c: {  	[tilespmem:$0x6820] =	vst v1  }
0x30d: {  	[tilespmem:$0x6830] =	vst v1  }
0x30e: {  	[tilespmem:$0x6840] =	vst v1  }
0x30f: {  	[tilespmem:$0x6850] =	vst v1  }
0x310: {  	[tilespmem:$0x6860] =	vst v1  }
0x311: {  	[tilespmem:$0x6870] =	vst v1  }
0x312: {  	[tilespmem:$0x6880] =	vst v1  }
0x313: {  	[tilespmem:$0x6890] =	vst v1  }
0x314: {  	[tilespmem:$0x68A0] =	vst v1  }
0x315: {  	[tilespmem:$0x68B0] =	vst v1  }
0x316: {  	[tilespmem:$0x68C0] =	vst v1  }
0x317: {  	[tilespmem:$0x68D0] =	vst v1  }
0x318: {  	[tilespmem:$0x68E0] =	vst v1  }
0x319: {  	[tilespmem:$0x68F0] =	vst v1  }
0x31a: {  	[tilespmem:$0x6C80] =	vst v1  }
0x31b: {  	[tilespmem:$0x6C90] =	vst v1  }
0x31c: {  	[tilespmem:$0x6CA0] =	vst v1  }
0x31d: {  	[tilespmem:$0x6CB0] =	vst v1  }
0x31e: {  	[tilespmem:$0x6CC0] =	vst v1  }
0x31f: {  	[tilespmem:$0x6CD0] =	vst v1  }
0x320: {  	[tilespmem:$0x6CE0] =	vst v1  }
0x321: {  	[tilespmem:$0x6CF0] =	vst v1  }
0x322: {  	[tilespmem:$0x6900] =	vst v1  }
0x323: {  	[tilespmem:$0x6910] =	vst v1  }
0x324: {  	[tilespmem:$0x6920] =	vst v1  }
0x325: {  	[tilespmem:$0x6930] =	vst v1  }
0x326: {  	[tilespmem:$0x6940] =	vst v1  }
0x327: {  	[tilespmem:$0x6950] =	vst v1  }
0x328: {  	[tilespmem:$0x6960] =	vst v1  }
0x329: {  	[tilespmem:$0x6970] =	vst v1  }
0x32a: {  	[tilespmem:$0x6D00] =	vst v1  }
0x32b: {  	[tilespmem:$0x6D10] =	vst v1  }
0x32c: {  	[tilespmem:$0x6D20] =	vst v1  }
0x32d: {  	[tilespmem:$0x6D30] =	vst v1  }
0x32e: {  	[tilespmem:$0x6D40] =	vst v1  }
0x32f: {  	[tilespmem:$0x6D50] =	vst v1  }
0x330: {  	[tilespmem:$0x6D60] =	vst v1  }
0x331: {  	[tilespmem:$0x6D70] =	vst v1  }
0x332: {  	[tilespmem:$0x6980] =	vst v1  }
0x333: {  	[tilespmem:$0x6990] =	vst v1  }
0x334: {  	[tilespmem:$0x69A0] =	vst v1  }
0x335: {  	[tilespmem:$0x69B0] =	vst v1  }
0x336: {  	[tilespmem:$0x69C0] =	vst v1  }
0x337: {  	[tilespmem:$0x69D0] =	vst v1  }
0x338: {  	[tilespmem:$0x69E0] =	vst v1  }
0x339: {  	[tilespmem:$0x69F0] =	vst v1  }
0x33a: {  	[tilespmem:$0x6D80] =	vst v1  }
0x33b: {  	[tilespmem:$0x6D90] =	vst v1  }
0x33c: {  	[tilespmem:$0x6DA0] =	vst v1  }
0x33d: {  	[tilespmem:$0x6DB0] =	vst v1  }
0x33e: {  	[tilespmem:$0x6DC0] =	vst v1  }
0x33f: {  	[tilespmem:$0x6DD0] =	vst v1  }
0x340: {  	[tilespmem:$0x6DE0] =	vst v1  }
0x341: {  	[tilespmem:$0x6DF0] =	vst v1  }
0x342: {  	[tilespmem:$0x6A00] =	vst v1  }
0x343: {  	[tilespmem:$0x6A10] =	vst v1  }
0x344: {  	[tilespmem:$0x6A20] =	vst v1  }
0x345: {  	[tilespmem:$0x6A30] =	vst v1  }
0x346: {  	[tilespmem:$0x6A40] =	vst v1  }
0x347: {  	[tilespmem:$0x6A50] =	vst v1  }
0x348: {  	[tilespmem:$0x6A60] =	vst v1  }
0x349: {  	[tilespmem:$0x6A70] =	vst v1  }
0x34a: {  	[tilespmem:$0x6E00] =	vst v1  }
0x34b: {  	[tilespmem:$0x6E10] =	vst v1  }
0x34c: {  	[tilespmem:$0x6E20] =	vst v1  }
0x34d: {  	[tilespmem:$0x6E30] =	vst v1  }
0x34e: {  	[tilespmem:$0x6E40] =	vst v1  }
0x34f: {  	[tilespmem:$0x6E50] =	vst v1  }
0x350: {  	[tilespmem:$0x6E60] =	vst v1  }
0x351: {  	[tilespmem:$0x6E70] =	vst v1  }
0x352: {  	[tilespmem:$0x6A80] =	vst v1  }
0x353: {  	[tilespmem:$0x6A90] =	vst v1  }
0x354: {  	[tilespmem:$0x6AA0] =	vst v1  }
0x355: {  	[tilespmem:$0x6AB0] =	vst v1  }
0x356: {  	[tilespmem:$0x6AC0] =	vst v1  }
0x357: {  	[tilespmem:$0x6AD0] =	vst v1  }
0x358: {  	[tilespmem:$0x6AE0] =	vst v1  }
0x359: {  	[tilespmem:$0x6AF0] =	vst v1  }
0x35a: {  	[tilespmem:$0x6E80] =	vst v1  }
0x35b: {  	[tilespmem:$0x6E90] =	vst v1  }
0x35c: {  	[tilespmem:$0x6EA0] =	vst v1  }
0x35d: {  	[tilespmem:$0x6EB0] =	vst v1  }
0x35e: {  	[tilespmem:$0x6EC0] =	vst v1  }
0x35f: {  	[tilespmem:$0x6ED0] =	vst v1  }
0x360: {  	[tilespmem:$0x6EE0] =	vst v1  }
0x361: {  	[tilespmem:$0x6EF0] =	vst v1  }
0x362: {  	[tilespmem:$0x6B00] =	vst v1  }
0x363: {  	[tilespmem:$0x6B10] =	vst v1  }
0x364: {  	[tilespmem:$0x6B20] =	vst v1  }
0x365: {  	[tilespmem:$0x6B30] =	vst v1  }
0x366: {  	[tilespmem:$0x6B40] =	vst v1  }
0x367: {  	[tilespmem:$0x6B50] =	vst v1  }
0x368: {  	[tilespmem:$0x6B60] =	vst v1  }
0x369: {  	[tilespmem:$0x6B70] =	vst v1  }
0x36a: {  	[tilespmem:$0x6F00] =	vst v1  }
0x36b: {  	[tilespmem:$0x6F10] =	vst v1  }
0x36c: {  	[tilespmem:$0x6F20] =	vst v1  }
0x36d: {  	[tilespmem:$0x6F30] =	vst v1  }
0x36e: {  	[tilespmem:$0x6F40] =	vst v1  }
0x36f: {  	[tilespmem:$0x6F50] =	vst v1  }
0x370: {  	[tilespmem:$0x6F60] =	vst v1  }
0x371: {  	[tilespmem:$0x6F70] =	vst v1  }
0x372: {  	[tilespmem:$0x6B80] =	vst v1  }
0x373: {  	[tilespmem:$0x6B90] =	vst v1  }
0x374: {  	[tilespmem:$0x6BA0] =	vst v1  }
0x375: {  	[tilespmem:$0x6BB0] =	vst v1  }
0x376: {  	[tilespmem:$0x6BC0] =	vst v1  }
0x377: {  	[tilespmem:$0x6BD0] =	vst v1  }
0x378: {  	[tilespmem:$0x6BE0] =	vst v1  }
0x379: {  	[tilespmem:$0x6BF0] =	vst v1  }
0x37a: {  	[tilespmem:$0x6F80] =	vst v1  }
0x37b: {  	[tilespmem:$0x6F90] =	vst v1  }
0x37c: {  	[tilespmem:$0x6FA0] =	vst v1  }
0x37d: {  	[tilespmem:$0x6FB0] =	vst v1  }
0x37e: {  	[tilespmem:$0x6FC0] =	vst v1  }
0x37f: {  	[tilespmem:$0x6FD0] =	vst v1  }
0x380: {  	[tilespmem:$0x6FE0] =	vst v1  }
0x381: {  	[tilespmem:$0x6FF0] =	vst v1  }
0x382: {  	[tilespmem:$0x6C00] =	vst v1  }
0x383: {  	[tilespmem:$0x6C10] =	vst v1  }
0x384: {  	[tilespmem:$0x6C20] =	vst v1  }
0x385: {  	[tilespmem:$0x6C30] =	vst v1  }
0x386: {  	[tilespmem:$0x6C40] =	vst v1  }
0x387: {  	[tilespmem:$0x6C50] =	vst v1  }
0x388: {  	[tilespmem:$0x6C60] =	vst v1  }
0x389: {  	[tilespmem:$0x6C70] =	vst v1  }
0x38a: {  	[tilespmem:$0x7000] =	vst v1  }
0x38b: {  	[tilespmem:$0x7010] =	vst v1  }
0x38c: {  	[tilespmem:$0x7020] =	vst v1  }
0x38d: {  	[tilespmem:$0x7030] =	vst v1  }
0x38e: {  	[tilespmem:$0x7040] =	vst v1  }
0x38f: {  	[tilespmem:$0x7050] =	vst v1  }
0x390: {  	[tilespmem:$0x7060] =	vst v1  }
0x391: {  	[tilespmem:$0x7070] =	vst v1  }
0x392: {  	[tilespmem:$0x7080] =	vst v1  }
0x393: {  	[tilespmem:$0x7090] =	vst v1  }
0x394: {  	[tilespmem:$0x70A0] =	vst v1  }
0x395: {  	[tilespmem:$0x70B0] =	vst v1  }
0x396: {  	[tilespmem:$0x70C0] =	vst v1  }
0x397: {  	[tilespmem:$0x70D0] =	vst v1  }
0x398: {  	[tilespmem:$0x70E0] =	vst v1  }
0x399: {  	[tilespmem:$0x70F0] =	vst v1  }
0x39a: {  	[tilespmem:$0x7480] =	vst v1  }
0x39b: {  	[tilespmem:$0x7490] =	vst v1  }
0x39c: {  	[tilespmem:$0x74A0] =	vst v1  }
0x39d: {  	[tilespmem:$0x74B0] =	vst v1  }
0x39e: {  	[tilespmem:$0x74C0] =	vst v1  }
0x39f: {  	[tilespmem:$0x74D0] =	vst v1  }
0x3a0: {  	[tilespmem:$0x74E0] =	vst v1  }
0x3a1: {  	[tilespmem:$0x74F0] =	vst v1  }
0x3a2: {  	[tilespmem:$0x7100] =	vst v1  }
0x3a3: {  	[tilespmem:$0x7110] =	vst v1  }
0x3a4: {  	[tilespmem:$0x7120] =	vst v1  }
0x3a5: {  	[tilespmem:$0x7130] =	vst v1  }
0x3a6: {  	[tilespmem:$0x7140] =	vst v1  }
0x3a7: {  	[tilespmem:$0x7150] =	vst v1  }
0x3a8: {  	[tilespmem:$0x7160] =	vst v1  }
0x3a9: {  	[tilespmem:$0x7170] =	vst v1  }
0x3aa: {  	[tilespmem:$0x7500] =	vst v1  }
0x3ab: {  	[tilespmem:$0x7510] =	vst v1  }
0x3ac: {  	[tilespmem:$0x7520] =	vst v1  }
0x3ad: {  	[tilespmem:$0x7530] =	vst v1  }
0x3ae: {  	[tilespmem:$0x7540] =	vst v1  }
0x3af: {  	[tilespmem:$0x7550] =	vst v1  }
0x3b0: {  	[tilespmem:$0x7560] =	vst v1  }
0x3b1: {  	[tilespmem:$0x7570] =	vst v1  }
0x3b2: {  	[tilespmem:$0x7180] =	vst v1  }
0x3b3: {  	[tilespmem:$0x7190] =	vst v1  }
0x3b4: {  	[tilespmem:$0x71A0] =	vst v1  }
0x3b5: {  	[tilespmem:$0x71B0] =	vst v1  }
0x3b6: {  	[tilespmem:$0x71C0] =	vst v1  }
0x3b7: {  	[tilespmem:$0x71D0] =	vst v1  }
0x3b8: {  	[tilespmem:$0x71E0] =	vst v1  }
0x3b9: {  	[tilespmem:$0x71F0] =	vst v1  }
0x3ba: {  	[tilespmem:$0x7580] =	vst v1  }
0x3bb: {  	[tilespmem:$0x7590] =	vst v1  }
0x3bc: {  	[tilespmem:$0x75A0] =	vst v1  }
0x3bd: {  	[tilespmem:$0x75B0] =	vst v1  }
0x3be: {  	[tilespmem:$0x75C0] =	vst v1  }
0x3bf: {  	[tilespmem:$0x75D0] =	vst v1  }
0x3c0: {  	[tilespmem:$0x75E0] =	vst v1  }
0x3c1: {  	[tilespmem:$0x75F0] =	vst v1  }
0x3c2: {  	[tilespmem:$0x7200] =	vst v1  }
0x3c3: {  	[tilespmem:$0x7210] =	vst v1  }
0x3c4: {  	[tilespmem:$0x7220] =	vst v1  }
0x3c5: {  	[tilespmem:$0x7230] =	vst v1  }
0x3c6: {  	[tilespmem:$0x7240] =	vst v1  }
0x3c7: {  	[tilespmem:$0x7250] =	vst v1  }
0x3c8: {  	[tilespmem:$0x7260] =	vst v1  }
0x3c9: {  	[tilespmem:$0x7270] =	vst v1  }
0x3ca: {  	[tilespmem:$0x7600] =	vst v1  }
0x3cb: {  	[tilespmem:$0x7610] =	vst v1  }
0x3cc: {  	[tilespmem:$0x7620] =	vst v1  }
0x3cd: {  	[tilespmem:$0x7630] =	vst v1  }
0x3ce: {  	[tilespmem:$0x7640] =	vst v1  }
0x3cf: {  	[tilespmem:$0x7650] =	vst v1  }
0x3d0: {  	[tilespmem:$0x7660] =	vst v1  }
0x3d1: {  	[tilespmem:$0x7670] =	vst v1  }
0x3d2: {  	[tilespmem:$0x7280] =	vst v1  }
0x3d3: {  	[tilespmem:$0x7290] =	vst v1  }
0x3d4: {  	[tilespmem:$0x72A0] =	vst v1  }
0x3d5: {  	[tilespmem:$0x72B0] =	vst v1  }
0x3d6: {  	[tilespmem:$0x72C0] =	vst v1  }
0x3d7: {  	[tilespmem:$0x72D0] =	vst v1  }
0x3d8: {  	[tilespmem:$0x72E0] =	vst v1  }
0x3d9: {  	[tilespmem:$0x72F0] =	vst v1  }
0x3da: {  	[tilespmem:$0x7680] =	vst v1  }
0x3db: {  	[tilespmem:$0x7690] =	vst v1  }
0x3dc: {  	[tilespmem:$0x76A0] =	vst v1  }
0x3dd: {  	[tilespmem:$0x76B0] =	vst v1  }
0x3de: {  	[tilespmem:$0x76C0] =	vst v1  }
0x3df: {  	[tilespmem:$0x76D0] =	vst v1  }
0x3e0: {  	[tilespmem:$0x76E0] =	vst v1  }
0x3e1: {  	[tilespmem:$0x76F0] =	vst v1  }
0x3e2: {  	[tilespmem:$0x7300] =	vst v1  }
0x3e3: {  	[tilespmem:$0x7310] =	vst v1  }
0x3e4: {  	[tilespmem:$0x7320] =	vst v1  }
0x3e5: {  	[tilespmem:$0x7330] =	vst v1  }
0x3e6: {  	[tilespmem:$0x7340] =	vst v1  }
0x3e7: {  	[tilespmem:$0x7350] =	vst v1  }
0x3e8: {  	[tilespmem:$0x7360] =	vst v1  }
0x3e9: {  	[tilespmem:$0x7370] =	vst v1  }
0x3ea: {  	[tilespmem:$0x7700] =	vst v1  }
0x3eb: {  	[tilespmem:$0x7710] =	vst v1  }
0x3ec: {  	[tilespmem:$0x7720] =	vst v1  }
0x3ed: {  	[tilespmem:$0x7730] =	vst v1  }
0x3ee: {  	[tilespmem:$0x7740] =	vst v1  }
0x3ef: {  	[tilespmem:$0x7750] =	vst v1  }
0x3f0: {  	[tilespmem:$0x7760] =	vst v1  }
0x3f1: {  	[tilespmem:$0x7770] =	vst v1  }
0x3f2: {  	[tilespmem:$0x7380] =	vst v1  }
0x3f3: {  	[tilespmem:$0x7390] =	vst v1  }
0x3f4: {  	[tilespmem:$0x73A0] =	vst v1  }
0x3f5: {  	[tilespmem:$0x73B0] =	vst v1  }
0x3f6: {  	[tilespmem:$0x73C0] =	vst v1  }
0x3f7: {  	[tilespmem:$0x73D0] =	vst v1  }
0x3f8: {  	[tilespmem:$0x73E0] =	vst v1  }
0x3f9: {  	[tilespmem:$0x73F0] =	vst v1  }
0x3fa: {  	[tilespmem:$0x7780] =	vst v1  }
0x3fb: {  	[tilespmem:$0x7790] =	vst v1  }
0x3fc: {  	[tilespmem:$0x77A0] =	vst v1  }
0x3fd: {  	[tilespmem:$0x77B0] =	vst v1  }
0x3fe: {  	[tilespmem:$0x77C0] =	vst v1  }
0x3ff: {  	[tilespmem:$0x77D0] =	vst v1  }
0x400: {  	[tilespmem:$0x77E0] =	vst v1  }
0x401: {  	[tilespmem:$0x77F0] =	vst v1  }
0x402: {  	[tilespmem:$0x7400] =	vst v1  }
0x403: {  	[tilespmem:$0x7410] =	vst v1  }
0x404: {  	[tilespmem:$0x7420] =	vst v1  }
0x405: {  	[tilespmem:$0x7430] =	vst v1  }
0x406: {  	[tilespmem:$0x7440] =	vst v1  }
0x407: {  	[tilespmem:$0x7450] =	vst v1  }
0x408: {  	[tilespmem:$0x7460] =	vst v1  }
0x409: {  	[tilespmem:$0x7470] =	vst v1  }
0x40a: {  	[tilespmem:$0x7800] =	vst v1  }
0x40b: {  	[tilespmem:$0x7810] =	vst v1  }
0x40c: {  	[tilespmem:$0x7820] =	vst v1  }
0x40d: {  	[tilespmem:$0x7830] =	vst v1  }
0x40e: {  	[tilespmem:$0x7840] =	vst v1  }
0x40f: {  	[tilespmem:$0x7850] =	vst v1  }
0x410: {  	[tilespmem:$0x7860] =	vst v1  }
0x411: {  	[tilespmem:$0x7870] =	vst v1  }
0x412: {  	[tilespmem:$0x7880] =	vst v1  }
0x413: {  	[tilespmem:$0x7890] =	vst v1  }
0x414: {  	[tilespmem:$0x78A0] =	vst v1  }
0x415: {  	[tilespmem:$0x78B0] =	vst v1  }
0x416: {  	[tilespmem:$0x78C0] =	vst v1  }
0x417: {  	[tilespmem:$0x78D0] =	vst v1  }
0x418: {  	[tilespmem:$0x78E0] =	vst v1  }
0x419: {  	[tilespmem:$0x78F0] =	vst v1  }
0x41a: {  	[tilespmem:$0x7C80] =	vst v1  }
0x41b: {  	[tilespmem:$0x7C90] =	vst v1  }
0x41c: {  	[tilespmem:$0x7CA0] =	vst v1  }
0x41d: {  	[tilespmem:$0x7CB0] =	vst v1  }
0x41e: {  	[tilespmem:$0x7CC0] =	vst v1  }
0x41f: {  	[tilespmem:$0x7CD0] =	vst v1  }
0x420: {  	[tilespmem:$0x7CE0] =	vst v1  }
0x421: {  	[tilespmem:$0x7CF0] =	vst v1  }
0x422: {  	[tilespmem:$0x7900] =	vst v1  }
0x423: {  	[tilespmem:$0x7910] =	vst v1  }
0x424: {  	[tilespmem:$0x7920] =	vst v1  }
0x425: {  	[tilespmem:$0x7930] =	vst v1  }
0x426: {  	[tilespmem:$0x7940] =	vst v1  }
0x427: {  	[tilespmem:$0x7950] =	vst v1  }
0x428: {  	[tilespmem:$0x7960] =	vst v1  }
0x429: {  	[tilespmem:$0x7970] =	vst v1  }
0x42a: {  	[tilespmem:$0x7D00] =	vst v1  }
0x42b: {  	[tilespmem:$0x7D10] =	vst v1  }
0x42c: {  	[tilespmem:$0x7D20] =	vst v1  }
0x42d: {  	[tilespmem:$0x7D30] =	vst v1  }
0x42e: {  	[tilespmem:$0x7D40] =	vst v1  }
0x42f: {  	[tilespmem:$0x7D50] =	vst v1  }
0x430: {  	[tilespmem:$0x7D60] =	vst v1  }
0x431: {  	[tilespmem:$0x7D70] =	vst v1  }
0x432: {  	[tilespmem:$0x7980] =	vst v1  }
0x433: {  	[tilespmem:$0x7990] =	vst v1  }
0x434: {  	[tilespmem:$0x79A0] =	vst v1  }
0x435: {  	[tilespmem:$0x79B0] =	vst v1  }
0x436: {  	[tilespmem:$0x79C0] =	vst v1  }
0x437: {  	[tilespmem:$0x79D0] =	vst v1  }
0x438: {  	[tilespmem:$0x79E0] =	vst v1  }
0x439: {  	[tilespmem:$0x79F0] =	vst v1  }
0x43a: {  	[tilespmem:$0x7D80] =	vst v1  }
0x43b: {  	[tilespmem:$0x7D90] =	vst v1  }
0x43c: {  	[tilespmem:$0x7DA0] =	vst v1  }
0x43d: {  	[tilespmem:$0x7DB0] =	vst v1  }
0x43e: {  	[tilespmem:$0x7DC0] =	vst v1  }
0x43f: {  	[tilespmem:$0x7DD0] =	vst v1  }
0x440: {  	[tilespmem:$0x7DE0] =	vst v1  }
0x441: {  	[tilespmem:$0x7DF0] =	vst v1  }
0x442: {  	[tilespmem:$0x7A00] =	vst v1  }
0x443: {  	[tilespmem:$0x7A10] =	vst v1  }
0x444: {  	[tilespmem:$0x7A20] =	vst v1  }
0x445: {  	[tilespmem:$0x7A30] =	vst v1  }
0x446: {  	[tilespmem:$0x7A40] =	vst v1  }
0x447: {  	[tilespmem:$0x7A50] =	vst v1  }
0x448: {  	[tilespmem:$0x7A60] =	vst v1  }
0x449: {  	[tilespmem:$0x7A70] =	vst v1  }
0x44a: {  	[tilespmem:$0x7E00] =	vst v1  }
0x44b: {  	[tilespmem:$0x7E10] =	vst v1  }
0x44c: {  	[tilespmem:$0x7E20] =	vst v1  }
0x44d: {  	[tilespmem:$0x7E30] =	vst v1  }
0x44e: {  	[tilespmem:$0x7E40] =	vst v1  }
0x44f: {  	[tilespmem:$0x7E50] =	vst v1  }
0x450: {  	[tilespmem:$0x7E60] =	vst v1  }
0x451: {  	[tilespmem:$0x7E70] =	vst v1  }
0x452: {  	[tilespmem:$0x7A80] =	vst v1  }
0x453: {  	[tilespmem:$0x7A90] =	vst v1  }
0x454: {  	[tilespmem:$0x7AA0] =	vst v1  }
0x455: {  	[tilespmem:$0x7AB0] =	vst v1  }
0x456: {  	[tilespmem:$0x7AC0] =	vst v1  }
0x457: {  	[tilespmem:$0x7AD0] =	vst v1  }
0x458: {  	[tilespmem:$0x7AE0] =	vst v1  }
0x459: {  	[tilespmem:$0x7AF0] =	vst v1  }
0x45a: {  	[tilespmem:$0x7E80] =	vst v1  }
0x45b: {  	[tilespmem:$0x7E90] =	vst v1  }
0x45c: {  	[tilespmem:$0x7EA0] =	vst v1  }
0x45d: {  	[tilespmem:$0x7EB0] =	vst v1  }
0x45e: {  	[tilespmem:$0x7EC0] =	vst v1  }
0x45f: {  	[tilespmem:$0x7ED0] =	vst v1  }
0x460: {  	[tilespmem:$0x7EE0] =	vst v1  }
0x461: {  	[tilespmem:$0x7EF0] =	vst v1  }
0x462: {  	[tilespmem:$0x7B00] =	vst v1  }
0x463: {  	[tilespmem:$0x7B10] =	vst v1  }
0x464: {  	[tilespmem:$0x7B20] =	vst v1  }
0x465: {  	[tilespmem:$0x7B30] =	vst v1  }
0x466: {  	[tilespmem:$0x7B40] =	vst v1  }
0x467: {  	[tilespmem:$0x7B50] =	vst v1  }
0x468: {  	[tilespmem:$0x7B60] =	vst v1  }
0x469: {  	[tilespmem:$0x7B70] =	vst v1  }
0x46a: {  	[tilespmem:$0x7F00] =	vst v1  }
0x46b: {  	[tilespmem:$0x7F10] =	vst v1  }
0x46c: {  	[tilespmem:$0x7F20] =	vst v1  }
0x46d: {  	[tilespmem:$0x7F30] =	vst v1  }
0x46e: {  	[tilespmem:$0x7F40] =	vst v1  }
0x46f: {  	[tilespmem:$0x7F50] =	vst v1  }
0x470: {  	[tilespmem:$0x7F60] =	vst v1  }
0x471: {  	[tilespmem:$0x7F70] =	vst v1  }
0x472: {  	[tilespmem:$0x7B80] =	vst v1  }
0x473: {  	[tilespmem:$0x7B90] =	vst v1  }
0x474: {  	[tilespmem:$0x7BA0] =	vst v1  }
0x475: {  	[tilespmem:$0x7BB0] =	vst v1  }
0x476: {  	[tilespmem:$0x7BC0] =	vst v1  }
0x477: {  	[tilespmem:$0x7BD0] =	vst v1  }
0x478: {  	[tilespmem:$0x7BE0] =	vst v1  }
0x479: {  	[tilespmem:$0x7BF0] =	vst v1  }
0x47a: {  	[tilespmem:$0x7F80] =	vst v1  }
0x47b: {  	[tilespmem:$0x7F90] =	vst v1  }
0x47c: {  	[tilespmem:$0x7FA0] =	vst v1  }
0x47d: {  	[tilespmem:$0x7FB0] =	vst v1  }
0x47e: {  	[tilespmem:$0x7FC0] =	vst v1  }
0x47f: {  	[tilespmem:$0x7FD0] =	vst v1  }
0x480: {  	[tilespmem:$0x7FE0] =	vst v1  }
0x481: {  	[tilespmem:$0x7FF0] =	vst v1  }
0x482: {  	[tilespmem:$0x7C00] =	vst v1  }
0x483: {  	[tilespmem:$0x7C10] =	vst v1  }
0x484: {  	[tilespmem:$0x7C20] =	vst v1  }
0x485: {  	[tilespmem:$0x7C30] =	vst v1  }
0x486: {  	[tilespmem:$0x7C40] =	vst v1  }
0x487: {  	[tilespmem:$0x7C50] =	vst v1  }
0x488: {  	[tilespmem:$0x7C60] =	vst v1  }
0x489: {  	[tilespmem:$0x7C70] =	vst v1  }
0x48a: {  	[tilespmem:$0x8000] =	vst v1  }
0x48b: {  	[tilespmem:$0x8010] =	vst v1  }
0x48c: {  	[tilespmem:$0x8020] =	vst v1  }
0x48d: {  	[tilespmem:$0x8030] =	vst v1  }
0x48e: {  	[tilespmem:$0x8040] =	vst v1  }
0x48f: {  	[tilespmem:$0x8050] =	vst v1  }
0x490: {  	[tilespmem:$0x8060] =	vst v1  }
0x491: {  	[tilespmem:$0x8070] =	vst v1  }
0x492: {  	[tilespmem:$0x8080] =	vst v1  }
0x493: {  	[tilespmem:$0x8090] =	vst v1  }
0x494: {  	[tilespmem:$0x80A0] =	vst v1  }
0x495: {  	[tilespmem:$0x80B0] =	vst v1  }
0x496: {  	[tilespmem:$0x80C0] =	vst v1  }
0x497: {  	[tilespmem:$0x80D0] =	vst v1  }
0x498: {  	[tilespmem:$0x80E0] =	vst v1  }
0x499: {  	[tilespmem:$0x80F0] =	vst v1  }
0x49a: {  	[tilespmem:$0x8480] =	vst v1  }
0x49b: {  	[tilespmem:$0x8490] =	vst v1  }
0x49c: {  	[tilespmem:$0x84A0] =	vst v1  }
0x49d: {  	[tilespmem:$0x84B0] =	vst v1  }
0x49e: {  	[tilespmem:$0x84C0] =	vst v1  }
0x49f: {  	[tilespmem:$0x84D0] =	vst v1  }
0x4a0: {  	[tilespmem:$0x84E0] =	vst v1  }
0x4a1: {  	[tilespmem:$0x84F0] =	vst v1  }
0x4a2: {  	[tilespmem:$0x8100] =	vst v1  }
0x4a3: {  	[tilespmem:$0x8110] =	vst v1  }
0x4a4: {  	[tilespmem:$0x8120] =	vst v1  }
0x4a5: {  	[tilespmem:$0x8130] =	vst v1  }
0x4a6: {  	[tilespmem:$0x8140] =	vst v1  }
0x4a7: {  	[tilespmem:$0x8150] =	vst v1  }
0x4a8: {  	[tilespmem:$0x8160] =	vst v1  }
0x4a9: {  	[tilespmem:$0x8170] =	vst v1  }
0x4aa: {  	[tilespmem:$0x8500] =	vst v1  }
0x4ab: {  	[tilespmem:$0x8510] =	vst v1  }
0x4ac: {  	[tilespmem:$0x8520] =	vst v1  }
0x4ad: {  	[tilespmem:$0x8530] =	vst v1  }
0x4ae: {  	[tilespmem:$0x8540] =	vst v1  }
0x4af: {  	[tilespmem:$0x8550] =	vst v1  }
0x4b0: {  	[tilespmem:$0x8560] =	vst v1  }
0x4b1: {  	[tilespmem:$0x8570] =	vst v1  }
0x4b2: {  	[tilespmem:$0x8180] =	vst v1  }
0x4b3: {  	[tilespmem:$0x8190] =	vst v1  }
0x4b4: {  	[tilespmem:$0x81A0] =	vst v1  }
0x4b5: {  	[tilespmem:$0x81B0] =	vst v1  }
0x4b6: {  	[tilespmem:$0x81C0] =	vst v1  }
0x4b7: {  	[tilespmem:$0x81D0] =	vst v1  }
0x4b8: {  	[tilespmem:$0x81E0] =	vst v1  }
0x4b9: {  	[tilespmem:$0x81F0] =	vst v1  }
0x4ba: {  	[tilespmem:$0x8580] =	vst v1  }
0x4bb: {  	[tilespmem:$0x8590] =	vst v1  }
0x4bc: {  	[tilespmem:$0x85A0] =	vst v1  }
0x4bd: {  	[tilespmem:$0x85B0] =	vst v1  }
0x4be: {  	[tilespmem:$0x85C0] =	vst v1  }
0x4bf: {  	[tilespmem:$0x85D0] =	vst v1  }
0x4c0: {  	[tilespmem:$0x85E0] =	vst v1  }
0x4c1: {  	[tilespmem:$0x85F0] =	vst v1  }
0x4c2: {  	[tilespmem:$0x8200] =	vst v1  }
0x4c3: {  	[tilespmem:$0x8210] =	vst v1  }
0x4c4: {  	[tilespmem:$0x8220] =	vst v1  }
0x4c5: {  	[tilespmem:$0x8230] =	vst v1  }
0x4c6: {  	[tilespmem:$0x8240] =	vst v1  }
0x4c7: {  	[tilespmem:$0x8250] =	vst v1  }
0x4c8: {  	[tilespmem:$0x8260] =	vst v1  }
0x4c9: {  	[tilespmem:$0x8270] =	vst v1  }
0x4ca: {  	[tilespmem:$0x8600] =	vst v1  }
0x4cb: {  	[tilespmem:$0x8610] =	vst v1  }
0x4cc: {  	[tilespmem:$0x8620] =	vst v1  }
0x4cd: {  	[tilespmem:$0x8630] =	vst v1  }
0x4ce: {  	[tilespmem:$0x8640] =	vst v1  }
0x4cf: {  	[tilespmem:$0x8650] =	vst v1  }
0x4d0: {  	[tilespmem:$0x8660] =	vst v1  }
0x4d1: {  	[tilespmem:$0x8670] =	vst v1  }
0x4d2: {  	[tilespmem:$0x8280] =	vst v1  }
0x4d3: {  	[tilespmem:$0x8290] =	vst v1  }
0x4d4: {  	[tilespmem:$0x82A0] =	vst v1  }
0x4d5: {  	[tilespmem:$0x82B0] =	vst v1  }
0x4d6: {  	[tilespmem:$0x82C0] =	vst v1  }
0x4d7: {  	[tilespmem:$0x82D0] =	vst v1  }
0x4d8: {  	[tilespmem:$0x82E0] =	vst v1  }
0x4d9: {  	[tilespmem:$0x82F0] =	vst v1  }
0x4da: {  	[tilespmem:$0x8680] =	vst v1  }
0x4db: {  	[tilespmem:$0x8690] =	vst v1  }
0x4dc: {  	[tilespmem:$0x86A0] =	vst v1  }
0x4dd: {  	[tilespmem:$0x86B0] =	vst v1  }
0x4de: {  	[tilespmem:$0x86C0] =	vst v1  }
0x4df: {  	[tilespmem:$0x86D0] =	vst v1  }
0x4e0: {  	[tilespmem:$0x86E0] =	vst v1  }
0x4e1: {  	[tilespmem:$0x86F0] =	vst v1  }
0x4e2: {  	[tilespmem:$0x8300] =	vst v1  }
0x4e3: {  	[tilespmem:$0x8310] =	vst v1  }
0x4e4: {  	[tilespmem:$0x8320] =	vst v1  }
0x4e5: {  	[tilespmem:$0x8330] =	vst v1  }
0x4e6: {  	[tilespmem:$0x8340] =	vst v1  }
0x4e7: {  	[tilespmem:$0x8350] =	vst v1  }
0x4e8: {  	[tilespmem:$0x8360] =	vst v1  }
0x4e9: {  	[tilespmem:$0x8370] =	vst v1  }
0x4ea: {  	[tilespmem:$0x8700] =	vst v1  }
0x4eb: {  	[tilespmem:$0x8710] =	vst v1  }
0x4ec: {  	[tilespmem:$0x8720] =	vst v1  }
0x4ed: {  	[tilespmem:$0x8730] =	vst v1  }
0x4ee: {  	[tilespmem:$0x8740] =	vst v1  }
0x4ef: {  	[tilespmem:$0x8750] =	vst v1  }
0x4f0: {  	[tilespmem:$0x8760] =	vst v1  }
0x4f1: {  	[tilespmem:$0x8770] =	vst v1  }
0x4f2: {  	[tilespmem:$0x8380] =	vst v1  }
0x4f3: {  	[tilespmem:$0x8390] =	vst v1  }
0x4f4: {  	[tilespmem:$0x83A0] =	vst v1  }
0x4f5: {  	[tilespmem:$0x83B0] =	vst v1  }
0x4f6: {  	[tilespmem:$0x83C0] =	vst v1  }
0x4f7: {  	[tilespmem:$0x83D0] =	vst v1  }
0x4f8: {  	[tilespmem:$0x83E0] =	vst v1  }
0x4f9: {  	[tilespmem:$0x83F0] =	vst v1  }
0x4fa: {  	[tilespmem:$0x8780] =	vst v1  }
0x4fb: {  	[tilespmem:$0x8790] =	vst v1  }
0x4fc: {  	[tilespmem:$0x87A0] =	vst v1  }
0x4fd: {  	[tilespmem:$0x87B0] =	vst v1  }
0x4fe: {  	[tilespmem:$0x87C0] =	vst v1  }
0x4ff: {  	[tilespmem:$0x87D0] =	vst v1  }
0x500: {  	[tilespmem:$0x87E0] =	vst v1  }
0x501: {  	[tilespmem:$0x87F0] =	vst v1  }
0x502: {  	[tilespmem:$0x8400] =	vst v1  }
0x503: {  	[tilespmem:$0x8410] =	vst v1  }
0x504: {  	[tilespmem:$0x8420] =	vst v1  }
0x505: {  	[tilespmem:$0x8430] =	vst v1  }
0x506: {  	[tilespmem:$0x8440] =	vst v1  }
0x507: {  	[tilespmem:$0x8450] =	vst v1  }
0x508: {  	[tilespmem:$0x8460] =	vst v1  }
0x509: {  	[tilespmem:$0x8470] =	vst v1  }
0x50a: {  	[tilespmem:$0x8800] =	vst v1  }
0x50b: {  	[tilespmem:$0x8810] =	vst v1  }
0x50c: {  	[tilespmem:$0x8820] =	vst v1  }
0x50d: {  	[tilespmem:$0x8830] =	vst v1  }
0x50e: {  	[tilespmem:$0x8840] =	vst v1  }
0x50f: {  	[tilespmem:$0x8850] =	vst v1  }
0x510: {  	[tilespmem:$0x8860] =	vst v1  }
0x511: {  	[tilespmem:$0x8870] =	vst v1  }
0x512: {  	[tilespmem:$0x8880] =	vst v1  }
0x513: {  	[tilespmem:$0x8890] =	vst v1  }
0x514: {  	[tilespmem:$0x88A0] =	vst v1  }
0x515: {  	[tilespmem:$0x88B0] =	vst v1  }
0x516: {  	[tilespmem:$0x88C0] =	vst v1  }
0x517: {  	[tilespmem:$0x88D0] =	vst v1  }
0x518: {  	[tilespmem:$0x88E0] =	vst v1  }
0x519: {  	[tilespmem:$0x88F0] =	vst v1  }
0x51a: {  	[tilespmem:$0x8C80] =	vst v1  }
0x51b: {  	[tilespmem:$0x8C90] =	vst v1  }
0x51c: {  	[tilespmem:$0x8CA0] =	vst v1  }
0x51d: {  	[tilespmem:$0x8CB0] =	vst v1  }
0x51e: {  	[tilespmem:$0x8CC0] =	vst v1  }
0x51f: {  	[tilespmem:$0x8CD0] =	vst v1  }
0x520: {  	[tilespmem:$0x8CE0] =	vst v1  }
0x521: {  	[tilespmem:$0x8CF0] =	vst v1  }
0x522: {  	[tilespmem:$0x8900] =	vst v1  }
0x523: {  	[tilespmem:$0x8910] =	vst v1  }
0x524: {  	[tilespmem:$0x8920] =	vst v1  }
0x525: {  	[tilespmem:$0x8930] =	vst v1  }
0x526: {  	[tilespmem:$0x8940] =	vst v1  }
0x527: {  	[tilespmem:$0x8950] =	vst v1  }
0x528: {  	[tilespmem:$0x8960] =	vst v1  }
0x529: {  	[tilespmem:$0x8970] =	vst v1  }
0x52a: {  	[tilespmem:$0x8D00] =	vst v1  }
0x52b: {  	[tilespmem:$0x8D10] =	vst v1  }
0x52c: {  	[tilespmem:$0x8D20] =	vst v1  }
0x52d: {  	[tilespmem:$0x8D30] =	vst v1  }
0x52e: {  	[tilespmem:$0x8D40] =	vst v1  }
0x52f: {  	[tilespmem:$0x8D50] =	vst v1  }
0x530: {  	[tilespmem:$0x8D60] =	vst v1  }
0x531: {  	[tilespmem:$0x8D70] =	vst v1  }
0x532: {  	[tilespmem:$0x8980] =	vst v1  }
0x533: {  	[tilespmem:$0x8990] =	vst v1  }
0x534: {  	[tilespmem:$0x89A0] =	vst v1  }
0x535: {  	[tilespmem:$0x89B0] =	vst v1  }
0x536: {  	[tilespmem:$0x89C0] =	vst v1  }
0x537: {  	[tilespmem:$0x89D0] =	vst v1  }
0x538: {  	[tilespmem:$0x89E0] =	vst v1  }
0x539: {  	[tilespmem:$0x89F0] =	vst v1  }
0x53a: {  	[tilespmem:$0x8D80] =	vst v1  }
0x53b: {  	[tilespmem:$0x8D90] =	vst v1  }
0x53c: {  	[tilespmem:$0x8DA0] =	vst v1  }
0x53d: {  	[tilespmem:$0x8DB0] =	vst v1  }
0x53e: {  	[tilespmem:$0x8DC0] =	vst v1  }
0x53f: {  	[tilespmem:$0x8DD0] =	vst v1  }
0x540: {  	[tilespmem:$0x8DE0] =	vst v1  }
0x541: {  	[tilespmem:$0x8DF0] =	vst v1  }
0x542: {  	[tilespmem:$0x8A00] =	vst v1  }
0x543: {  	[tilespmem:$0x8A10] =	vst v1  }
0x544: {  	[tilespmem:$0x8A20] =	vst v1  }
0x545: {  	[tilespmem:$0x8A30] =	vst v1  }
0x546: {  	[tilespmem:$0x8A40] =	vst v1  }
0x547: {  	[tilespmem:$0x8A50] =	vst v1  }
0x548: {  	[tilespmem:$0x8A60] =	vst v1  }
0x549: {  	[tilespmem:$0x8A70] =	vst v1  }
0x54a: {  	[tilespmem:$0x8E00] =	vst v1  }
0x54b: {  	[tilespmem:$0x8E10] =	vst v1  }
0x54c: {  	[tilespmem:$0x8E20] =	vst v1  }
0x54d: {  	[tilespmem:$0x8E30] =	vst v1  }
0x54e: {  	[tilespmem:$0x8E40] =	vst v1  }
0x54f: {  	[tilespmem:$0x8E50] =	vst v1  }
0x550: {  	[tilespmem:$0x8E60] =	vst v1  }
0x551: {  	[tilespmem:$0x8E70] =	vst v1  }
0x552: {  	[tilespmem:$0x8A80] =	vst v1  }
0x553: {  	[tilespmem:$0x8A90] =	vst v1  }
0x554: {  	[tilespmem:$0x8AA0] =	vst v1  }
0x555: {  	[tilespmem:$0x8AB0] =	vst v1  }
0x556: {  	[tilespmem:$0x8AC0] =	vst v1  }
0x557: {  	[tilespmem:$0x8AD0] =	vst v1  }
0x558: {  	[tilespmem:$0x8AE0] =	vst v1  }
0x559: {  	[tilespmem:$0x8AF0] =	vst v1  }
0x55a: {  	[tilespmem:$0x8E80] =	vst v1  }
0x55b: {  	[tilespmem:$0x8E90] =	vst v1  }
0x55c: {  	[tilespmem:$0x8EA0] =	vst v1  }
0x55d: {  	[tilespmem:$0x8EB0] =	vst v1  }
0x55e: {  	[tilespmem:$0x8EC0] =	vst v1  }
0x55f: {  	[tilespmem:$0x8ED0] =	vst v1  }
0x560: {  	[tilespmem:$0x8EE0] =	vst v1  }
0x561: {  	[tilespmem:$0x8EF0] =	vst v1  }
0x562: {  	[tilespmem:$0x8B00] =	vst v1  }
0x563: {  	[tilespmem:$0x8B10] =	vst v1  }
0x564: {  	[tilespmem:$0x8B20] =	vst v1  }
0x565: {  	[tilespmem:$0x8B30] =	vst v1  }
0x566: {  	[tilespmem:$0x8B40] =	vst v1  }
0x567: {  	[tilespmem:$0x8B50] =	vst v1  }
0x568: {  	[tilespmem:$0x8B60] =	vst v1  }
0x569: {  	[tilespmem:$0x8B70] =	vst v1  }
0x56a: {  	[tilespmem:$0x8F00] =	vst v1  }
0x56b: {  	[tilespmem:$0x8F10] =	vst v1  }
0x56c: {  	[tilespmem:$0x8F20] =	vst v1  }
0x56d: {  	[tilespmem:$0x8F30] =	vst v1  }
0x56e: {  	[tilespmem:$0x8F40] =	vst v1  }
0x56f: {  	[tilespmem:$0x8F50] =	vst v1  }
0x570: {  	[tilespmem:$0x8F60] =	vst v1  }
0x571: {  	[tilespmem:$0x8F70] =	vst v1  }
0x572: {  	[tilespmem:$0x8B80] =	vst v1  }
0x573: {  	[tilespmem:$0x8B90] =	vst v1  }
0x574: {  	[tilespmem:$0x8BA0] =	vst v1  }
0x575: {  	[tilespmem:$0x8BB0] =	vst v1  }
0x576: {  	[tilespmem:$0x8BC0] =	vst v1  }
0x577: {  	[tilespmem:$0x8BD0] =	vst v1  }
0x578: {  	[tilespmem:$0x8BE0] =	vst v1  }
0x579: {  	[tilespmem:$0x8BF0] =	vst v1  }
0x57a: {  	[tilespmem:$0x8F80] =	vst v1  }
0x57b: {  	[tilespmem:$0x8F90] =	vst v1  }
0x57c: {  	[tilespmem:$0x8FA0] =	vst v1  }
0x57d: {  	[tilespmem:$0x8FB0] =	vst v1  }
0x57e: {  	[tilespmem:$0x8FC0] =	vst v1  }
0x57f: {  	[tilespmem:$0x8FD0] =	vst v1  }
0x580: {  	[tilespmem:$0x8FE0] =	vst v1  }
0x581: {  	[tilespmem:$0x8FF0] =	vst v1  }
0x582: {  	[tilespmem:$0x8C00] =	vst v1  }
0x583: {  	[tilespmem:$0x8C10] =	vst v1  }
0x584: {  	[tilespmem:$0x8C20] =	vst v1  }
0x585: {  	[tilespmem:$0x8C30] =	vst v1  }
0x586: {  	[tilespmem:$0x8C40] =	vst v1  }
0x587: {  	[tilespmem:$0x8C50] =	vst v1  }
0x588: {  	[tilespmem:$0x8C60] =	vst v1  }
0x589: {  	[tilespmem:$0x8C70] =	vst v1  }
0x58a: {  	[tilespmem:$0x9000] =	vst v1  }
0x58b: {  	[tilespmem:$0x9010] =	vst v1  }
0x58c: {  	[tilespmem:$0x9020] =	vst v1  }
0x58d: {  	[tilespmem:$0x9030] =	vst v1  }
0x58e: {  	[tilespmem:$0x9040] =	vst v1  }
0x58f: {  	[tilespmem:$0x9050] =	vst v1  }
0x590: {  	[tilespmem:$0x9060] =	vst v1  }
0x591: {  	[tilespmem:$0x9070] =	vst v1  }
0x592: {  	[tilespmem:$0x9080] =	vst v1  }
0x593: {  	[tilespmem:$0x9090] =	vst v1  }
0x594: {  	[tilespmem:$0x90A0] =	vst v1  }
0x595: {  	[tilespmem:$0x90B0] =	vst v1  }
0x596: {  	[tilespmem:$0x90C0] =	vst v1  }
0x597: {  	[tilespmem:$0x90D0] =	vst v1  }
0x598: {  	[tilespmem:$0x90E0] =	vst v1  }
0x599: {  	[tilespmem:$0x90F0] =	vst v1  }
0x59a: {  	[tilespmem:$0x9480] =	vst v1  }
0x59b: {  	[tilespmem:$0x9490] =	vst v1  }
0x59c: {  	[tilespmem:$0x94A0] =	vst v1  }
0x59d: {  	[tilespmem:$0x94B0] =	vst v1  }
0x59e: {  	[tilespmem:$0x94C0] =	vst v1  }
0x59f: {  	[tilespmem:$0x94D0] =	vst v1  }
0x5a0: {  	[tilespmem:$0x94E0] =	vst v1  }
0x5a1: {  	[tilespmem:$0x94F0] =	vst v1  }
0x5a2: {  	[tilespmem:$0x9100] =	vst v1  }
0x5a3: {  	[tilespmem:$0x9110] =	vst v1  }
0x5a4: {  	[tilespmem:$0x9120] =	vst v1  }
0x5a5: {  	[tilespmem:$0x9130] =	vst v1  }
0x5a6: {  	[tilespmem:$0x9140] =	vst v1  }
0x5a7: {  	[tilespmem:$0x9150] =	vst v1  }
0x5a8: {  	[tilespmem:$0x9160] =	vst v1  }
0x5a9: {  	[tilespmem:$0x9170] =	vst v1  }
0x5aa: {  	[tilespmem:$0x9500] =	vst v1  }
0x5ab: {  	[tilespmem:$0x9510] =	vst v1  }
0x5ac: {  	[tilespmem:$0x9520] =	vst v1  }
0x5ad: {  	[tilespmem:$0x9530] =	vst v1  }
0x5ae: {  	[tilespmem:$0x9540] =	vst v1  }
0x5af: {  	[tilespmem:$0x9550] =	vst v1  }
0x5b0: {  	[tilespmem:$0x9560] =	vst v1  }
0x5b1: {  	[tilespmem:$0x9570] =	vst v1  }
0x5b2: {  	[tilespmem:$0x9180] =	vst v1  }
0x5b3: {  	[tilespmem:$0x9190] =	vst v1  }
0x5b4: {  	[tilespmem:$0x91A0] =	vst v1  }
0x5b5: {  	[tilespmem:$0x91B0] =	vst v1  }
0x5b6: {  	[tilespmem:$0x91C0] =	vst v1  }
0x5b7: {  	[tilespmem:$0x91D0] =	vst v1  }
0x5b8: {  	[tilespmem:$0x91E0] =	vst v1  }
0x5b9: {  	[tilespmem:$0x91F0] =	vst v1  }
0x5ba: {  	[tilespmem:$0x9580] =	vst v1  }
0x5bb: {  	[tilespmem:$0x9590] =	vst v1  }
0x5bc: {  	[tilespmem:$0x95A0] =	vst v1  }
0x5bd: {  	[tilespmem:$0x95B0] =	vst v1  }
0x5be: {  	[tilespmem:$0x95C0] =	vst v1  }
0x5bf: {  	[tilespmem:$0x95D0] =	vst v1  }
0x5c0: {  	[tilespmem:$0x95E0] =	vst v1  }
0x5c1: {  	[tilespmem:$0x95F0] =	vst v1  }
0x5c2: {  	[tilespmem:$0x9200] =	vst v1  }
0x5c3: {  	[tilespmem:$0x9210] =	vst v1  }
0x5c4: {  	[tilespmem:$0x9220] =	vst v1  }
0x5c5: {  	[tilespmem:$0x9230] =	vst v1  }
0x5c6: {  	[tilespmem:$0x9240] =	vst v1  }
0x5c7: {  	[tilespmem:$0x9250] =	vst v1  }
0x5c8: {  	[tilespmem:$0x9260] =	vst v1  }
0x5c9: {  	[tilespmem:$0x9270] =	vst v1  }
0x5ca: {  	[tilespmem:$0x9600] =	vst v1  }
0x5cb: {  	[tilespmem:$0x9610] =	vst v1  }
0x5cc: {  	[tilespmem:$0x9620] =	vst v1  }
0x5cd: {  	[tilespmem:$0x9630] =	vst v1  }
0x5ce: {  	[tilespmem:$0x9640] =	vst v1  }
0x5cf: {  	[tilespmem:$0x9650] =	vst v1  }
0x5d0: {  	[tilespmem:$0x9660] =	vst v1  }
0x5d1: {  	[tilespmem:$0x9670] =	vst v1  }
0x5d2: {  	[tilespmem:$0x9280] =	vst v1  }
0x5d3: {  	[tilespmem:$0x9290] =	vst v1  }
0x5d4: {  	[tilespmem:$0x92A0] =	vst v1  }
0x5d5: {  	[tilespmem:$0x92B0] =	vst v1  }
0x5d6: {  	[tilespmem:$0x92C0] =	vst v1  }
0x5d7: {  	[tilespmem:$0x92D0] =	vst v1  }
0x5d8: {  	[tilespmem:$0x92E0] =	vst v1  }
0x5d9: {  	[tilespmem:$0x92F0] =	vst v1  }
0x5da: {  	[tilespmem:$0x9680] =	vst v1  }
0x5db: {  	[tilespmem:$0x9690] =	vst v1  }
0x5dc: {  	[tilespmem:$0x96A0] =	vst v1  }
0x5dd: {  	[tilespmem:$0x96B0] =	vst v1  }
0x5de: {  	[tilespmem:$0x96C0] =	vst v1  }
0x5df: {  	[tilespmem:$0x96D0] =	vst v1  }
0x5e0: {  	[tilespmem:$0x96E0] =	vst v1  }
0x5e1: {  	[tilespmem:$0x96F0] =	vst v1  }
0x5e2: {  	[tilespmem:$0x9300] =	vst v1  }
0x5e3: {  	[tilespmem:$0x9310] =	vst v1  }
0x5e4: {  	[tilespmem:$0x9320] =	vst v1  }
0x5e5: {  	[tilespmem:$0x9330] =	vst v1  }
0x5e6: {  	[tilespmem:$0x9340] =	vst v1  }
0x5e7: {  	[tilespmem:$0x9350] =	vst v1  }
0x5e8: {  	[tilespmem:$0x9360] =	vst v1  }
0x5e9: {  	[tilespmem:$0x9370] =	vst v1  }
0x5ea: {  	[tilespmem:$0x9700] =	vst v1  }
0x5eb: {  	[tilespmem:$0x9710] =	vst v1  }
0x5ec: {  	[tilespmem:$0x9720] =	vst v1  }
0x5ed: {  	[tilespmem:$0x9730] =	vst v1  }
0x5ee: {  	[tilespmem:$0x9740] =	vst v1  }
0x5ef: {  	[tilespmem:$0x9750] =	vst v1  }
0x5f0: {  	[tilespmem:$0x9760] =	vst v1  }
0x5f1: {  	[tilespmem:$0x9770] =	vst v1  }
0x5f2: {  	[tilespmem:$0x9380] =	vst v1  }
0x5f3: {  	[tilespmem:$0x9390] =	vst v1  }
0x5f4: {  	[tilespmem:$0x93A0] =	vst v1  }
0x5f5: {  	[tilespmem:$0x93B0] =	vst v1  }
0x5f6: {  	[tilespmem:$0x93C0] =	vst v1  }
0x5f7: {  	[tilespmem:$0x93D0] =	vst v1  }
0x5f8: {  	[tilespmem:$0x93E0] =	vst v1  }
0x5f9: {  	[tilespmem:$0x93F0] =	vst v1  }
0x5fa: {  	[tilespmem:$0x9780] =	vst v1  }
0x5fb: {  	[tilespmem:$0x9790] =	vst v1  }
0x5fc: {  	[tilespmem:$0x97A0] =	vst v1  }
0x5fd: {  	[tilespmem:$0x97B0] =	vst v1  }
0x5fe: {  	[tilespmem:$0x97C0] =	vst v1  }
0x5ff: {  	[tilespmem:$0x97D0] =	vst v1  }
0x600: {  	[tilespmem:$0x97E0] =	vst v1  }
0x601: {  	[tilespmem:$0x97F0] =	vst v1  }
0x602: {  	[tilespmem:$0x9400] =	vst v1  }
0x603: {  	[tilespmem:$0x9410] =	vst v1  }
0x604: {  	[tilespmem:$0x9420] =	vst v1  }
0x605: {  	[tilespmem:$0x9430] =	vst v1  }
0x606: {  	[tilespmem:$0x9440] =	vst v1  }
0x607: {  	[tilespmem:$0x9450] =	vst v1  }
0x608: {  	[tilespmem:$0x9460] =	vst v1  }
0x609: {  	[tilespmem:$0x9470] =	vst v1  }
0x60a: {  	[tilespmem:$0x9800] =	vst v1  }
0x60b: {  	[tilespmem:$0x9810] =	vst v1  }
0x60c: {  	[tilespmem:$0x9820] =	vst v1  }
0x60d: {  	[tilespmem:$0x9830] =	vst v1  }
0x60e: {  	[tilespmem:$0x9840] =	vst v1  }
0x60f: {  	[tilespmem:$0x9850] =	vst v1  }
0x610: {  	[tilespmem:$0x9860] =	vst v1  }
0x611: {  	[tilespmem:$0x9870] =	vst v1  }
0x612: {  	[tilespmem:$0x9880] =	vst v1  }
0x613: {  	[tilespmem:$0x9890] =	vst v1  }
0x614: {  	[tilespmem:$0x98A0] =	vst v1  }
0x615: {  	[tilespmem:$0x98B0] =	vst v1  }
0x616: {  	[tilespmem:$0x98C0] =	vst v1  }
0x617: {  	[tilespmem:$0x98D0] =	vst v1  }
0x618: {  	[tilespmem:$0x98E0] =	vst v1  }
0x619: {  	[tilespmem:$0x98F0] =	vst v1  }
0x61a: {  	[tilespmem:$0x9C80] =	vst v1  }
0x61b: {  	[tilespmem:$0x9C90] =	vst v1  }
0x61c: {  	[tilespmem:$0x9CA0] =	vst v1  }
0x61d: {  	[tilespmem:$0x9CB0] =	vst v1  }
0x61e: {  	[tilespmem:$0x9CC0] =	vst v1  }
0x61f: {  	[tilespmem:$0x9CD0] =	vst v1  }
0x620: {  	[tilespmem:$0x9CE0] =	vst v1  }
0x621: {  	[tilespmem:$0x9CF0] =	vst v1  }
0x622: {  	[tilespmem:$0x9900] =	vst v1  }
0x623: {  	[tilespmem:$0x9910] =	vst v1  }
0x624: {  	[tilespmem:$0x9920] =	vst v1  }
0x625: {  	[tilespmem:$0x9930] =	vst v1  }
0x626: {  	[tilespmem:$0x9940] =	vst v1  }
0x627: {  	[tilespmem:$0x9950] =	vst v1  }
0x628: {  	[tilespmem:$0x9960] =	vst v1  }
0x629: {  	[tilespmem:$0x9970] =	vst v1  }
0x62a: {  	[tilespmem:$0x9D00] =	vst v1  }
0x62b: {  	[tilespmem:$0x9D10] =	vst v1  }
0x62c: {  	[tilespmem:$0x9D20] =	vst v1  }
0x62d: {  	[tilespmem:$0x9D30] =	vst v1  }
0x62e: {  	[tilespmem:$0x9D40] =	vst v1  }
0x62f: {  	[tilespmem:$0x9D50] =	vst v1  }
0x630: {  	[tilespmem:$0x9D60] =	vst v1  }
0x631: {  	[tilespmem:$0x9D70] =	vst v1  }
0x632: {  	[tilespmem:$0x9980] =	vst v1  }
0x633: {  	[tilespmem:$0x9990] =	vst v1  }
0x634: {  	[tilespmem:$0x99A0] =	vst v1  }
0x635: {  	[tilespmem:$0x99B0] =	vst v1  }
0x636: {  	[tilespmem:$0x99C0] =	vst v1  }
0x637: {  	[tilespmem:$0x99D0] =	vst v1  }
0x638: {  	[tilespmem:$0x99E0] =	vst v1  }
0x639: {  	[tilespmem:$0x99F0] =	vst v1  }
0x63a: {  	[tilespmem:$0x9D80] =	vst v1  }
0x63b: {  	[tilespmem:$0x9D90] =	vst v1  }
0x63c: {  	[tilespmem:$0x9DA0] =	vst v1  }
0x63d: {  	[tilespmem:$0x9DB0] =	vst v1  }
0x63e: {  	[tilespmem:$0x9DC0] =	vst v1  }
0x63f: {  	[tilespmem:$0x9DD0] =	vst v1  }
0x640: {  	[tilespmem:$0x9DE0] =	vst v1  }
0x641: {  	[tilespmem:$0x9DF0] =	vst v1  }
0x642: {  	[tilespmem:$0x9A00] =	vst v1  }
0x643: {  	[tilespmem:$0x9A10] =	vst v1  }
0x644: {  	[tilespmem:$0x9A20] =	vst v1  }
0x645: {  	[tilespmem:$0x9A30] =	vst v1  }
0x646: {  	[tilespmem:$0x9A40] =	vst v1  }
0x647: {  	[tilespmem:$0x9A50] =	vst v1  }
0x648: {  	[tilespmem:$0x9A60] =	vst v1  }
0x649: {  	[tilespmem:$0x9A70] =	vst v1  }
0x64a: {  	[tilespmem:$0x9E00] =	vst v1  }
0x64b: {  	[tilespmem:$0x9E10] =	vst v1  }
0x64c: {  	[tilespmem:$0x9E20] =	vst v1  }
0x64d: {  	[tilespmem:$0x9E30] =	vst v1  }
0x64e: {  	[tilespmem:$0x9E40] =	vst v1  }
0x64f: {  	[tilespmem:$0x9E50] =	vst v1  }
0x650: {  	[tilespmem:$0x9E60] =	vst v1  }
0x651: {  	[tilespmem:$0x9E70] =	vst v1  }
0x652: {  	[tilespmem:$0x9A80] =	vst v1  }
0x653: {  	[tilespmem:$0x9A90] =	vst v1  }
0x654: {  	[tilespmem:$0x9AA0] =	vst v1  }
0x655: {  	[tilespmem:$0x9AB0] =	vst v1  }
0x656: {  	[tilespmem:$0x9AC0] =	vst v1  }
0x657: {  	[tilespmem:$0x9AD0] =	vst v1  }
0x658: {  	[tilespmem:$0x9AE0] =	vst v1  }
0x659: {  	[tilespmem:$0x9AF0] =	vst v1  }
0x65a: {  	[tilespmem:$0x9E80] =	vst v1  }
0x65b: {  	[tilespmem:$0x9E90] =	vst v1  }
0x65c: {  	[tilespmem:$0x9EA0] =	vst v1  }
0x65d: {  	[tilespmem:$0x9EB0] =	vst v1  }
0x65e: {  	[tilespmem:$0x9EC0] =	vst v1  }
0x65f: {  	[tilespmem:$0x9ED0] =	vst v1  }
0x660: {  	[tilespmem:$0x9EE0] =	vst v1  }
0x661: {  	[tilespmem:$0x9EF0] =	vst v1  }
0x662: {  	[tilespmem:$0x9B00] =	vst v1  }
0x663: {  	[tilespmem:$0x9B10] =	vst v1  }
0x664: {  	[tilespmem:$0x9B20] =	vst v1  }
0x665: {  	[tilespmem:$0x9B30] =	vst v1  }
0x666: {  	[tilespmem:$0x9B40] =	vst v1  }
0x667: {  	[tilespmem:$0x9B50] =	vst v1  }
0x668: {  	[tilespmem:$0x9B60] =	vst v1  }
0x669: {  	[tilespmem:$0x9B70] =	vst v1  }
0x66a: {  	[tilespmem:$0x9F00] =	vst v1  }
0x66b: {  	[tilespmem:$0x9F10] =	vst v1  }
0x66c: {  	[tilespmem:$0x9F20] =	vst v1  }
0x66d: {  	[tilespmem:$0x9F30] =	vst v1  }
0x66e: {  	[tilespmem:$0x9F40] =	vst v1  }
0x66f: {  	[tilespmem:$0x9F50] =	vst v1  }
0x670: {  	[tilespmem:$0x9F60] =	vst v1  }
0x671: {  	[tilespmem:$0x9F70] =	vst v1  }
0x672: {  	[tilespmem:$0x9B80] =	vst v1  }
0x673: {  	[tilespmem:$0x9B90] =	vst v1  }
0x674: {  	[tilespmem:$0x9BA0] =	vst v1  }
0x675: {  	[tilespmem:$0x9BB0] =	vst v1  }
0x676: {  	[tilespmem:$0x9BC0] =	vst v1  }
0x677: {  	[tilespmem:$0x9BD0] =	vst v1  }
0x678: {  	[tilespmem:$0x9BE0] =	vst v1  }
0x679: {  	[tilespmem:$0x9BF0] =	vst v1  }
0x67a: {  	[tilespmem:$0x9F80] =	vst v1  }
0x67b: {  	[tilespmem:$0x9F90] =	vst v1  }
0x67c: {  	[tilespmem:$0x9FA0] =	vst v1  }
0x67d: {  	[tilespmem:$0x9FB0] =	vst v1  }
0x67e: {  	[tilespmem:$0x9FC0] =	vst v1  }
0x67f: {  	[tilespmem:$0x9FD0] =	vst v1  }
0x680: {  	[tilespmem:$0x9FE0] =	vst v1  }
0x681: {  	[tilespmem:$0x9FF0] =	vst v1  }
0x682: {  	[tilespmem:$0x9C00] =	vst v1  }
0x683: {  	[tilespmem:$0x9C10] =	vst v1  }
0x684: {  	[tilespmem:$0x9C20] =	vst v1  }
0x685: {  	[tilespmem:$0x9C30] =	vst v1  }
0x686: {  	[tilespmem:$0x9C40] =	vst v1  }
0x687: {  	[tilespmem:$0x9C50] =	vst v1  }
0x688: {  	[tilespmem:$0x9C60] =	vst v1  }
0x689: {  	[tilespmem:$0x9C70] =	vst v1  }
0x68a: {  	[tilespmem:$0xA000] =	vst v1  }
0x68b: {  	[tilespmem:$0xA010] =	vst v1  }
0x68c: {  	[tilespmem:$0xA020] =	vst v1  }
0x68d: {  	[tilespmem:$0xA030] =	vst v1  }
0x68e: {  	[tilespmem:$0xA040] =	vst v1  }
0x68f: {  	[tilespmem:$0xA050] =	vst v1  }
0x690: {  	[tilespmem:$0xA060] =	vst v1  }
0x691: {  	[tilespmem:$0xA070] =	vst v1  }
0x692: {  	[tilespmem:$0xA080] =	vst v1  }
0x693: {  	[tilespmem:$0xA090] =	vst v1  }
0x694: {  	[tilespmem:$0xA0A0] =	vst v1  }
0x695: {  	[tilespmem:$0xA0B0] =	vst v1  }
0x696: {  	[tilespmem:$0xA0C0] =	vst v1  }
0x697: {  	[tilespmem:$0xA0D0] =	vst v1  }
0x698: {  	[tilespmem:$0xA0E0] =	vst v1  }
0x699: {  	[tilespmem:$0xA0F0] =	vst v1  }
0x69a: {  	[tilespmem:$0xA480] =	vst v1  }
0x69b: {  	[tilespmem:$0xA490] =	vst v1  }
0x69c: {  	[tilespmem:$0xA4A0] =	vst v1  }
0x69d: {  	[tilespmem:$0xA4B0] =	vst v1  }
0x69e: {  	[tilespmem:$0xA4C0] =	vst v1  }
0x69f: {  	[tilespmem:$0xA4D0] =	vst v1  }
0x6a0: {  	[tilespmem:$0xA4E0] =	vst v1  }
0x6a1: {  	[tilespmem:$0xA4F0] =	vst v1  }
0x6a2: {  	[tilespmem:$0xA100] =	vst v1  }
0x6a3: {  	[tilespmem:$0xA110] =	vst v1  }
0x6a4: {  	[tilespmem:$0xA120] =	vst v1  }
0x6a5: {  	[tilespmem:$0xA130] =	vst v1  }
0x6a6: {  	[tilespmem:$0xA140] =	vst v1  }
0x6a7: {  	[tilespmem:$0xA150] =	vst v1  }
0x6a8: {  	[tilespmem:$0xA160] =	vst v1  }
0x6a9: {  	[tilespmem:$0xA170] =	vst v1  }
0x6aa: {  	[tilespmem:$0xA500] =	vst v1  }
0x6ab: {  	[tilespmem:$0xA510] =	vst v1  }
0x6ac: {  	[tilespmem:$0xA520] =	vst v1  }
0x6ad: {  	[tilespmem:$0xA530] =	vst v1  }
0x6ae: {  	[tilespmem:$0xA540] =	vst v1  }
0x6af: {  	[tilespmem:$0xA550] =	vst v1  }
0x6b0: {  	[tilespmem:$0xA560] =	vst v1  }
0x6b1: {  	[tilespmem:$0xA570] =	vst v1  }
0x6b2: {  	[tilespmem:$0xA180] =	vst v1  }
0x6b3: {  	[tilespmem:$0xA190] =	vst v1  }
0x6b4: {  	[tilespmem:$0xA1A0] =	vst v1  }
0x6b5: {  	[tilespmem:$0xA1B0] =	vst v1  }
0x6b6: {  	[tilespmem:$0xA1C0] =	vst v1  }
0x6b7: {  	[tilespmem:$0xA1D0] =	vst v1  }
0x6b8: {  	[tilespmem:$0xA1E0] =	vst v1  }
0x6b9: {  	[tilespmem:$0xA1F0] =	vst v1  }
0x6ba: {  	[tilespmem:$0xA580] =	vst v1  }
0x6bb: {  	[tilespmem:$0xA590] =	vst v1  }
0x6bc: {  	[tilespmem:$0xA5A0] =	vst v1  }
0x6bd: {  	[tilespmem:$0xA5B0] =	vst v1  }
0x6be: {  	[tilespmem:$0xA5C0] =	vst v1  }
0x6bf: {  	[tilespmem:$0xA5D0] =	vst v1  }
0x6c0: {  	[tilespmem:$0xA5E0] =	vst v1  }
0x6c1: {  	[tilespmem:$0xA5F0] =	vst v1  }
0x6c2: {  	[tilespmem:$0xA200] =	vst v1  }
0x6c3: {  	[tilespmem:$0xA210] =	vst v1  }
0x6c4: {  	[tilespmem:$0xA220] =	vst v1  }
0x6c5: {  	[tilespmem:$0xA230] =	vst v1  }
0x6c6: {  	[tilespmem:$0xA240] =	vst v1  }
0x6c7: {  	[tilespmem:$0xA250] =	vst v1  }
0x6c8: {  	[tilespmem:$0xA260] =	vst v1  }
0x6c9: {  	[tilespmem:$0xA270] =	vst v1  }
0x6ca: {  	[tilespmem:$0xA600] =	vst v1  }
0x6cb: {  	[tilespmem:$0xA610] =	vst v1  }
0x6cc: {  	[tilespmem:$0xA620] =	vst v1  }
0x6cd: {  	[tilespmem:$0xA630] =	vst v1  }
0x6ce: {  	[tilespmem:$0xA640] =	vst v1  }
0x6cf: {  	[tilespmem:$0xA650] =	vst v1  }
0x6d0: {  	[tilespmem:$0xA660] =	vst v1  }
0x6d1: {  	[tilespmem:$0xA670] =	vst v1  }
0x6d2: {  	[tilespmem:$0xA280] =	vst v1  }
0x6d3: {  	[tilespmem:$0xA290] =	vst v1  }
0x6d4: {  	[tilespmem:$0xA2A0] =	vst v1  }
0x6d5: {  	[tilespmem:$0xA2B0] =	vst v1  }
0x6d6: {  	[tilespmem:$0xA2C0] =	vst v1  }
0x6d7: {  	[tilespmem:$0xA2D0] =	vst v1  }
0x6d8: {  	[tilespmem:$0xA2E0] =	vst v1  }
0x6d9: {  	[tilespmem:$0xA2F0] =	vst v1  }
0x6da: {  	[tilespmem:$0xA680] =	vst v1  }
0x6db: {  	[tilespmem:$0xA690] =	vst v1  }
0x6dc: {  	[tilespmem:$0xA6A0] =	vst v1  }
0x6dd: {  	[tilespmem:$0xA6B0] =	vst v1  }
0x6de: {  	[tilespmem:$0xA6C0] =	vst v1  }
0x6df: {  	[tilespmem:$0xA6D0] =	vst v1  }
0x6e0: {  	[tilespmem:$0xA6E0] =	vst v1  }
0x6e1: {  	[tilespmem:$0xA6F0] =	vst v1  }
0x6e2: {  	[tilespmem:$0xA300] =	vst v1  }
0x6e3: {  	[tilespmem:$0xA310] =	vst v1  }
0x6e4: {  	[tilespmem:$0xA320] =	vst v1  }
0x6e5: {  	[tilespmem:$0xA330] =	vst v1  }
0x6e6: {  	[tilespmem:$0xA340] =	vst v1  }
0x6e7: {  	[tilespmem:$0xA350] =	vst v1  }
0x6e8: {  	[tilespmem:$0xA360] =	vst v1  }
0x6e9: {  	[tilespmem:$0xA370] =	vst v1  }
0x6ea: {  	[tilespmem:$0xA700] =	vst v1  }
0x6eb: {  	[tilespmem:$0xA710] =	vst v1  }
0x6ec: {  	[tilespmem:$0xA720] =	vst v1  }
0x6ed: {  	[tilespmem:$0xA730] =	vst v1  }
0x6ee: {  	[tilespmem:$0xA740] =	vst v1  }
0x6ef: {  	[tilespmem:$0xA750] =	vst v1  }
0x6f0: {  	[tilespmem:$0xA760] =	vst v1  }
0x6f1: {  	[tilespmem:$0xA770] =	vst v1  }
0x6f2: {  	[tilespmem:$0xA380] =	vst v1  }
0x6f3: {  	[tilespmem:$0xA390] =	vst v1  }
0x6f4: {  	[tilespmem:$0xA3A0] =	vst v1  }
0x6f5: {  	[tilespmem:$0xA3B0] =	vst v1  }
0x6f6: {  	[tilespmem:$0xA3C0] =	vst v1  }
0x6f7: {  	[tilespmem:$0xA3D0] =	vst v1  }
0x6f8: {  	[tilespmem:$0xA3E0] =	vst v1  }
0x6f9: {  	[tilespmem:$0xA3F0] =	vst v1  }
0x6fa: {  	[tilespmem:$0xA780] =	vst v1  }
0x6fb: {  	[tilespmem:$0xA790] =	vst v1  }
0x6fc: {  	[tilespmem:$0xA7A0] =	vst v1  }
0x6fd: {  	[tilespmem:$0xA7B0] =	vst v1  }
0x6fe: {  	[tilespmem:$0xA7C0] =	vst v1  }
0x6ff: {  	[tilespmem:$0xA7D0] =	vst v1  }
0x700: {  	[tilespmem:$0xA7E0] =	vst v1  }
0x701: {  	[tilespmem:$0xA7F0] =	vst v1  }
0x702: {  	[tilespmem:$0xA400] =	vst v1  }
0x703: {  	[tilespmem:$0xA410] =	vst v1  }
0x704: {  	[tilespmem:$0xA420] =	vst v1  }
0x705: {  	[tilespmem:$0xA430] =	vst v1  }
0x706: {  	[tilespmem:$0xA440] =	vst v1  }
0x707: {  	[tilespmem:$0xA450] =	vst v1  }
0x708: {  	[tilespmem:$0xA460] =	vst v1  }
0x709: {  	[tilespmem:$0xA470] =	vst v1  }
0x70a: {  	[tilespmem:$0xA800] =	vst v1  }
0x70b: {  	[tilespmem:$0xA810] =	vst v1  }
0x70c: {  	[tilespmem:$0xA820] =	vst v1  }
0x70d: {  	[tilespmem:$0xA830] =	vst v1  }
0x70e: {  	[tilespmem:$0xA840] =	vst v1  }
0x70f: {  	[tilespmem:$0xA850] =	vst v1  }
0x710: {  	[tilespmem:$0xA860] =	vst v1  }
0x711: {  	[tilespmem:$0xA870] =	vst v1  }
0x712: {  	[tilespmem:$0xA880] =	vst v1  }
0x713: {  	[tilespmem:$0xA890] =	vst v1  }
0x714: {  	[tilespmem:$0xA8A0] =	vst v1  }
0x715: {  	[tilespmem:$0xA8B0] =	vst v1  }
0x716: {  	[tilespmem:$0xA8C0] =	vst v1  }
0x717: {  	[tilespmem:$0xA8D0] =	vst v1  }
0x718: {  	[tilespmem:$0xA8E0] =	vst v1  }
0x719: {  	[tilespmem:$0xA8F0] =	vst v1  }
0x71a: {  	[tilespmem:$0xAC80] =	vst v1  }
0x71b: {  	[tilespmem:$0xAC90] =	vst v1  }
0x71c: {  	[tilespmem:$0xACA0] =	vst v1  }
0x71d: {  	[tilespmem:$0xACB0] =	vst v1  }
0x71e: {  	[tilespmem:$0xACC0] =	vst v1  }
0x71f: {  	[tilespmem:$0xACD0] =	vst v1  }
0x720: {  	[tilespmem:$0xACE0] =	vst v1  }
0x721: {  	[tilespmem:$0xACF0] =	vst v1  }
0x722: {  	[tilespmem:$0xA900] =	vst v1  }
0x723: {  	[tilespmem:$0xA910] =	vst v1  }
0x724: {  	[tilespmem:$0xA920] =	vst v1  }
0x725: {  	[tilespmem:$0xA930] =	vst v1  }
0x726: {  	[tilespmem:$0xA940] =	vst v1  }
0x727: {  	[tilespmem:$0xA950] =	vst v1  }
0x728: {  	[tilespmem:$0xA960] =	vst v1  }
0x729: {  	[tilespmem:$0xA970] =	vst v1  }
0x72a: {  	[tilespmem:$0xAD00] =	vst v1  }
0x72b: {  	[tilespmem:$0xAD10] =	vst v1  }
0x72c: {  	[tilespmem:$0xAD20] =	vst v1  }
0x72d: {  	[tilespmem:$0xAD30] =	vst v1  }
0x72e: {  	[tilespmem:$0xAD40] =	vst v1  }
0x72f: {  	[tilespmem:$0xAD50] =	vst v1  }
0x730: {  	[tilespmem:$0xAD60] =	vst v1  }
0x731: {  	[tilespmem:$0xAD70] =	vst v1  }
0x732: {  	[tilespmem:$0xA980] =	vst v1  }
0x733: {  	[tilespmem:$0xA990] =	vst v1  }
0x734: {  	[tilespmem:$0xA9A0] =	vst v1  }
0x735: {  	[tilespmem:$0xA9B0] =	vst v1  }
0x736: {  	[tilespmem:$0xA9C0] =	vst v1  }
0x737: {  	[tilespmem:$0xA9D0] =	vst v1  }
0x738: {  	[tilespmem:$0xA9E0] =	vst v1  }
0x739: {  	[tilespmem:$0xA9F0] =	vst v1  }
0x73a: {  	[tilespmem:$0xAD80] =	vst v1  }
0x73b: {  	[tilespmem:$0xAD90] =	vst v1  }
0x73c: {  	[tilespmem:$0xADA0] =	vst v1  }
0x73d: {  	[tilespmem:$0xADB0] =	vst v1  }
0x73e: {  	[tilespmem:$0xADC0] =	vst v1  }
0x73f: {  	[tilespmem:$0xADD0] =	vst v1  }
0x740: {  	[tilespmem:$0xADE0] =	vst v1  }
0x741: {  	[tilespmem:$0xADF0] =	vst v1  }
0x742: {  	[tilespmem:$0xAA00] =	vst v1  }
0x743: {  	[tilespmem:$0xAA10] =	vst v1  }
0x744: {  	[tilespmem:$0xAA20] =	vst v1  }
0x745: {  	[tilespmem:$0xAA30] =	vst v1  }
0x746: {  	[tilespmem:$0xAA40] =	vst v1  }
0x747: {  	[tilespmem:$0xAA50] =	vst v1  }
0x748: {  	[tilespmem:$0xAA60] =	vst v1  }
0x749: {  	[tilespmem:$0xAA70] =	vst v1  }
0x74a: {  	[tilespmem:$0xAE00] =	vst v1  }
0x74b: {  	[tilespmem:$0xAE10] =	vst v1  }
0x74c: {  	[tilespmem:$0xAE20] =	vst v1  }
0x74d: {  	[tilespmem:$0xAE30] =	vst v1  }
0x74e: {  	[tilespmem:$0xAE40] =	vst v1  }
0x74f: {  	[tilespmem:$0xAE50] =	vst v1  }
0x750: {  	[tilespmem:$0xAE60] =	vst v1  }
0x751: {  	[tilespmem:$0xAE70] =	vst v1  }
0x752: {  	[tilespmem:$0xAA80] =	vst v1  }
0x753: {  	[tilespmem:$0xAA90] =	vst v1  }
0x754: {  	[tilespmem:$0xAAA0] =	vst v1  }
0x755: {  	[tilespmem:$0xAAB0] =	vst v1  }
0x756: {  	[tilespmem:$0xAAC0] =	vst v1  }
0x757: {  	[tilespmem:$0xAAD0] =	vst v1  }
0x758: {  	[tilespmem:$0xAAE0] =	vst v1  }
0x759: {  	[tilespmem:$0xAAF0] =	vst v1  }
0x75a: {  	[tilespmem:$0xAE80] =	vst v1  }
0x75b: {  	[tilespmem:$0xAE90] =	vst v1  }
0x75c: {  	[tilespmem:$0xAEA0] =	vst v1  }
0x75d: {  	[tilespmem:$0xAEB0] =	vst v1  }
0x75e: {  	[tilespmem:$0xAEC0] =	vst v1  }
0x75f: {  	[tilespmem:$0xAED0] =	vst v1  }
0x760: {  	[tilespmem:$0xAEE0] =	vst v1  }
0x761: {  	[tilespmem:$0xAEF0] =	vst v1  }
0x762: {  	[tilespmem:$0xAB00] =	vst v1  }
0x763: {  	[tilespmem:$0xAB10] =	vst v1  }
0x764: {  	[tilespmem:$0xAB20] =	vst v1  }
0x765: {  	[tilespmem:$0xAB30] =	vst v1  }
0x766: {  	[tilespmem:$0xAB40] =	vst v1  }
0x767: {  	[tilespmem:$0xAB50] =	vst v1  }
0x768: {  	[tilespmem:$0xAB60] =	vst v1  }
0x769: {  	[tilespmem:$0xAB70] =	vst v1  }
0x76a: {  	[tilespmem:$0xAF00] =	vst v1  }
0x76b: {  	[tilespmem:$0xAF10] =	vst v1  }
0x76c: {  	[tilespmem:$0xAF20] =	vst v1  }
0x76d: {  	[tilespmem:$0xAF30] =	vst v1  }
0x76e: {  	[tilespmem:$0xAF40] =	vst v1  }
0x76f: {  	[tilespmem:$0xAF50] =	vst v1  }
0x770: {  	[tilespmem:$0xAF60] =	vst v1  }
0x771: {  	[tilespmem:$0xAF70] =	vst v1  }
0x772: {  	[tilespmem:$0xAB80] =	vst v1  }
0x773: {  	[tilespmem:$0xAB90] =	vst v1  }
0x774: {  	[tilespmem:$0xABA0] =	vst v1  }
0x775: {  	[tilespmem:$0xABB0] =	vst v1  }
0x776: {  	[tilespmem:$0xABC0] =	vst v1  }
0x777: {  	[tilespmem:$0xABD0] =	vst v1  }
0x778: {  	[tilespmem:$0xABE0] =	vst v1  }
0x779: {  	[tilespmem:$0xABF0] =	vst v1  }
0x77a: {  	[tilespmem:$0xAF80] =	vst v1  }
0x77b: {  	[tilespmem:$0xAF90] =	vst v1  }
0x77c: {  	[tilespmem:$0xAFA0] =	vst v1  }
0x77d: {  	[tilespmem:$0xAFB0] =	vst v1  }
0x77e: {  	[tilespmem:$0xAFC0] =	vst v1  }
0x77f: {  	[tilespmem:$0xAFD0] =	vst v1  }
0x780: {  	[tilespmem:$0xAFE0] =	vst v1  }
0x781: {  	[tilespmem:$0xAFF0] =	vst v1  }
0x782: {  	[tilespmem:$0xAC00] =	vst v1  }
0x783: {  	[tilespmem:$0xAC10] =	vst v1  }
0x784: {  	[tilespmem:$0xAC20] =	vst v1  }
0x785: {  	[tilespmem:$0xAC30] =	vst v1  }
0x786: {  	[tilespmem:$0xAC40] =	vst v1  }
0x787: {  	[tilespmem:$0xAC50] =	vst v1  }
0x788: {  	[tilespmem:$0xAC60] =	vst v1  }
0x789: {  	[tilespmem:$0xAC70] =	vst v1  }
0x78a: {  	[tilespmem:$0xB000] =	vst v1  }
0x78b: {  	[tilespmem:$0xB010] =	vst v1  }
0x78c: {  	[tilespmem:$0xB020] =	vst v1  }
0x78d: {  	[tilespmem:$0xB030] =	vst v1  }
0x78e: {  	[tilespmem:$0xB040] =	vst v1  }
0x78f: {  	[tilespmem:$0xB050] =	vst v1  }
0x790: {  	[tilespmem:$0xB060] =	vst v1  }
0x791: {  	[tilespmem:$0xB070] =	vst v1  }
0x792: {  	[tilespmem:$0xB080] =	vst v1  }
0x793: {  	[tilespmem:$0xB090] =	vst v1  }
0x794: {  	[tilespmem:$0xB0A0] =	vst v1  }
0x795: {  	[tilespmem:$0xB0B0] =	vst v1  }
0x796: {  	[tilespmem:$0xB0C0] =	vst v1  }
0x797: {  	[tilespmem:$0xB0D0] =	vst v1  }
0x798: {  	[tilespmem:$0xB0E0] =	vst v1  }
0x799: {  	[tilespmem:$0xB0F0] =	vst v1  }
0x79a: {  	[tilespmem:$0xB480] =	vst v1  }
0x79b: {  	[tilespmem:$0xB490] =	vst v1  }
0x79c: {  	[tilespmem:$0xB4A0] =	vst v1  }
0x79d: {  	[tilespmem:$0xB4B0] =	vst v1  }
0x79e: {  	[tilespmem:$0xB4C0] =	vst v1  }
0x79f: {  	[tilespmem:$0xB4D0] =	vst v1  }
0x7a0: {  	[tilespmem:$0xB4E0] =	vst v1  }
0x7a1: {  	[tilespmem:$0xB4F0] =	vst v1  }
0x7a2: {  	[tilespmem:$0xB100] =	vst v1  }
0x7a3: {  	[tilespmem:$0xB110] =	vst v1  }
0x7a4: {  	[tilespmem:$0xB120] =	vst v1  }
0x7a5: {  	[tilespmem:$0xB130] =	vst v1  }
0x7a6: {  	[tilespmem:$0xB140] =	vst v1  }
0x7a7: {  	[tilespmem:$0xB150] =	vst v1  }
0x7a8: {  	[tilespmem:$0xB160] =	vst v1  }
0x7a9: {  	[tilespmem:$0xB170] =	vst v1  }
0x7aa: {  	[tilespmem:$0xB500] =	vst v1  }
0x7ab: {  	[tilespmem:$0xB510] =	vst v1  }
0x7ac: {  	[tilespmem:$0xB520] =	vst v1  }
0x7ad: {  	[tilespmem:$0xB530] =	vst v1  }
0x7ae: {  	[tilespmem:$0xB540] =	vst v1  }
0x7af: {  	[tilespmem:$0xB550] =	vst v1  }
0x7b0: {  	[tilespmem:$0xB560] =	vst v1  }
0x7b1: {  	[tilespmem:$0xB570] =	vst v1  }
0x7b2: {  	[tilespmem:$0xB180] =	vst v1  }
0x7b3: {  	[tilespmem:$0xB190] =	vst v1  }
0x7b4: {  	[tilespmem:$0xB1A0] =	vst v1  }
0x7b5: {  	[tilespmem:$0xB1B0] =	vst v1  }
0x7b6: {  	[tilespmem:$0xB1C0] =	vst v1  }
0x7b7: {  	[tilespmem:$0xB1D0] =	vst v1  }
0x7b8: {  	[tilespmem:$0xB1E0] =	vst v1  }
0x7b9: {  	[tilespmem:$0xB1F0] =	vst v1  }
0x7ba: {  	[tilespmem:$0xB580] =	vst v1  }
0x7bb: {  	[tilespmem:$0xB590] =	vst v1  }
0x7bc: {  	[tilespmem:$0xB5A0] =	vst v1  }
0x7bd: {  	[tilespmem:$0xB5B0] =	vst v1  }
0x7be: {  	[tilespmem:$0xB5C0] =	vst v1  }
0x7bf: {  	[tilespmem:$0xB5D0] =	vst v1  }
0x7c0: {  	[tilespmem:$0xB5E0] =	vst v1  }
0x7c1: {  	[tilespmem:$0xB5F0] =	vst v1  }
0x7c2: {  	[tilespmem:$0xB200] =	vst v1  }
0x7c3: {  	[tilespmem:$0xB210] =	vst v1  }
0x7c4: {  	[tilespmem:$0xB220] =	vst v1  }
0x7c5: {  	[tilespmem:$0xB230] =	vst v1  }
0x7c6: {  	[tilespmem:$0xB240] =	vst v1  }
0x7c7: {  	[tilespmem:$0xB250] =	vst v1  }
0x7c8: {  	[tilespmem:$0xB260] =	vst v1  }
0x7c9: {  	[tilespmem:$0xB270] =	vst v1  }
0x7ca: {  	[tilespmem:$0xB600] =	vst v1  }
0x7cb: {  	[tilespmem:$0xB610] =	vst v1  }
0x7cc: {  	[tilespmem:$0xB620] =	vst v1  }
0x7cd: {  	[tilespmem:$0xB630] =	vst v1  }
0x7ce: {  	[tilespmem:$0xB640] =	vst v1  }
0x7cf: {  	[tilespmem:$0xB650] =	vst v1  }
0x7d0: {  	[tilespmem:$0xB660] =	vst v1  }
0x7d1: {  	[tilespmem:$0xB670] =	vst v1  }
0x7d2: {  	[tilespmem:$0xB280] =	vst v1  }
0x7d3: {  	[tilespmem:$0xB290] =	vst v1  }
0x7d4: {  	[tilespmem:$0xB2A0] =	vst v1  }
0x7d5: {  	[tilespmem:$0xB2B0] =	vst v1  }
0x7d6: {  	[tilespmem:$0xB2C0] =	vst v1  }
0x7d7: {  	[tilespmem:$0xB2D0] =	vst v1  }
0x7d8: {  	[tilespmem:$0xB2E0] =	vst v1  }
0x7d9: {  	[tilespmem:$0xB2F0] =	vst v1  }
0x7da: {  	[tilespmem:$0xB680] =	vst v1  }
0x7db: {  	[tilespmem:$0xB690] =	vst v1  }
0x7dc: {  	[tilespmem:$0xB6A0] =	vst v1  }
0x7dd: {  	[tilespmem:$0xB6B0] =	vst v1  }
0x7de: {  	[tilespmem:$0xB6C0] =	vst v1  }
0x7df: {  	[tilespmem:$0xB6D0] =	vst v1  }
0x7e0: {  	[tilespmem:$0xB6E0] =	vst v1  }
0x7e1: {  	[tilespmem:$0xB6F0] =	vst v1  }
0x7e2: {  	[tilespmem:$0xB300] =	vst v1  }
0x7e3: {  	[tilespmem:$0xB310] =	vst v1  }
0x7e4: {  	[tilespmem:$0xB320] =	vst v1  }
0x7e5: {  	[tilespmem:$0xB330] =	vst v1  }
0x7e6: {  	[tilespmem:$0xB340] =	vst v1  }
0x7e7: {  	[tilespmem:$0xB350] =	vst v1  }
0x7e8: {  	[tilespmem:$0xB360] =	vst v1  }
0x7e9: {  	[tilespmem:$0xB370] =	vst v1  }
0x7ea: {  	[tilespmem:$0xB700] =	vst v1  }
0x7eb: {  	[tilespmem:$0xB710] =	vst v1  }
0x7ec: {  	[tilespmem:$0xB720] =	vst v1  }
0x7ed: {  	[tilespmem:$0xB730] =	vst v1  }
0x7ee: {  	[tilespmem:$0xB740] =	vst v1  }
0x7ef: {  	[tilespmem:$0xB750] =	vst v1  }
0x7f0: {  	[tilespmem:$0xB760] =	vst v1  }
0x7f1: {  	[tilespmem:$0xB770] =	vst v1  }
0x7f2: {  	[tilespmem:$0xB380] =	vst v1  }
0x7f3: {  	[tilespmem:$0xB390] =	vst v1  }
0x7f4: {  	[tilespmem:$0xB3A0] =	vst v1  }
0x7f5: {  	[tilespmem:$0xB3B0] =	vst v1  }
0x7f6: {  	[tilespmem:$0xB3C0] =	vst v1  }
0x7f7: {  	[tilespmem:$0xB3D0] =	vst v1  }
0x7f8: {  	[tilespmem:$0xB3E0] =	vst v1  }
0x7f9: {  	[tilespmem:$0xB3F0] =	vst v1  }
0x7fa: {  	[tilespmem:$0xB780] =	vst v1  }
0x7fb: {  	[tilespmem:$0xB790] =	vst v1  }
0x7fc: {  	[tilespmem:$0xB7A0] =	vst v1  }
0x7fd: {  	[tilespmem:$0xB7B0] =	vst v1  }
0x7fe: {  	[tilespmem:$0xB7C0] =	vst v1  }
0x7ff: {  	[tilespmem:$0xB7D0] =	vst v1  }
0x800: {  	[tilespmem:$0xB7E0] =	vst v1  }
0x801: {  	[tilespmem:$0xB7F0] =	vst v1  }
0x802: {  	[tilespmem:$0xB400] =	vst v1  }
0x803: {  	[tilespmem:$0xB410] =	vst v1  }
0x804: {  	[tilespmem:$0xB420] =	vst v1  }
0x805: {  	[tilespmem:$0xB430] =	vst v1  }
0x806: {  	[tilespmem:$0xB440] =	vst v1  }
0x807: {  	[tilespmem:$0xB450] =	vst v1  }
0x808: {  	[tilespmem:$0xB460] =	vst v1  }
0x809: {  	[tilespmem:$0xB470] =	vst v1  }
0x80a: {  	[tilespmem:$0xB800] =	vst v1  }
0x80b: {  	[tilespmem:$0xB810] =	vst v1  }
0x80c: {  	[tilespmem:$0xB820] =	vst v1  }
0x80d: {  	[tilespmem:$0xB830] =	vst v1  }
0x80e: {  	[tilespmem:$0xB840] =	vst v1  }
0x80f: {  	[tilespmem:$0xB850] =	vst v1  }
0x810: {  	[tilespmem:$0xB860] =	vst v1  }
0x811: {  	[tilespmem:$0xB870] =	vst v1  }
0x812: {  	[hbm4b:s3+s2] =	stream.linear.scatter [tilespmem:s7], [sflag:$0x1], $0x8000, $0x38;
	[tilespmem:$0xB880] =	vst v63  }
0x813: {  	_ =	swait.ge [sflag:s8], $0x8000  }
0x814: {  	[sflag:s8] =	ssyncset.done $0x0  }
0x815: {  	[sflag:s8] =	ssyncadd.s32 $0xFFFF8000  }
.LBB2_3:
0x816: {  	[bflag:$0x0] =	sbarrier.arrive $0xFFFF;
	s18 =	simm.s32 $0x0;
	s19 =	smov.u32 s5  }
.LBB2_4:
0x817: {  	s20 =	sadd.s32 s18, s6  }
0x818: {  	[tilespmem:s9], [sflag:$0x1] =	stream.linear.gather [hbm4b:s20+s2], $0x38, $0x38;
	[tilespmem:$0xB880] =	vst v63  }
0x819: {  	_ =	swait.ge [sflag:s8], $0x38  }
0x81a: {  	[sflag:s8] =	ssyncset.done $0x0  }
0x81b: {  	[sflag:s8] =	ssyncadd.s32 $0xFFFFFFC8  }
0x81c: {  	[tilespmem:s2], [sflag:$0x1] =	stream.linear.gather [hbm4b:s19+s2], $0x3800, $0x38;
	[tilespmem:$0xB880] =	vst v63  }
0x81d: {  	_ =	swait.ge [sflag:s8], $0x3800  }
0x81e: {  	[sflag:s8] =	ssyncset.done $0x0  }
0x81f: {  	[sflag:s8] =	ssyncadd.s32 $0xFFFFC800  }
0x820: {  	v5 =	vld [tilespmem:$0x3800];
	_ =	sdelay $0x4  }
0x821: {  	v6 =	vadd.s32 v0, v5  }
0x822: {  	v7 =	vshll.u32 v6, $0x1  }
0x823: {  	v9 =	vld [tilespmem:$0x3820];
	v5 =	vand.u32 $0x7, v5;
	v7 =	vand.u32 $0xFFFFFFF0, v7  }
0x824: {  	v8 =	vld [tilespmem:$0x3810];
	v5 =	vor.u32 v5, v7  }
0x825: {  	v7 =	vld.msk [tilespmem:$0x3830], $0xff;
	v10 =	vperm.xlane v5, v2;
	_ =	sdelay $0x1  }
0x826: {  	v5 =	vperm.xlane v5, v4;
	v10 =	vadd.s32 v3, v10  }
0x827: {  	v63 =	vadd.s32 v0, v9;
	[tilespmem:$0x3800] =	vst v6  }
0x828: {  	v6 =	vadd.s32 v0, v8;
	[tilespmem:$0x3820] =	vst v63;
	v5 =	vadd.s32 v3, v5  }
0x829: {  	[tilespmem:$0x3810] =	vst v6;
	v6 =	vadd.s32 v0, v7  }
0x82a: {  	[tilespmem:s10+$0x0] =	vst.msk $0xff, v6  }
0x82b: {  	[hbm4b:s1+s2] =	stream.indirect_vreg.scatter [tilespmem:s2], [sflag:$0x1], $0x80, v10, vm0, $0xb8;
	[tilespmem:$0xB880] =	vst v63  }
0x82c: {  	_ = 	snop  }
0x82d: {  	[hbm4b:s1+s2] =	stream.indirect_vreg.scatter [tilespmem:s11], [sflag:$0x1], $0x80, v5, vm0, $0xb8;
	[tilespmem:$0xB880] =	vst v63  }
0x82e: {  	v5 =	vld [tilespmem:$0x3810];
	_ =	sdelay $0x4  }
0x82f: {  	v6 =	vshll.u32 v5, $0x1  }
0x830: {  	v5 =	vand.u32 $0x7, v5;
	v6 =	vand.u32 $0xFFFFFFF0, v6  }
0x831: {  	v5 =	vor.u32 v5, v6  }
0x832: {  	v6 =	vperm.xlane v5, v2;
	_ =	sdelay $0x1  }
0x833: {  	v5 =	vperm.xlane v5, v4;
	v6 =	vadd.s32 v3, v6;
	_ =	sdelay $0x1  }
0x834: {  	v5 =	vadd.s32 v3, v5;
	_ =	sdelay $0x2  }
0x835: {  	[hbm4b:s1+s2] =	stream.indirect_vreg.scatter [tilespmem:s12], [sflag:$0x1], $0x80, v6, vm0, $0xb8;
	[tilespmem:$0xB880] =	vst v63  }
0x836: {  	_ = 	snop  }
0x837: {  	[hbm4b:s1+s2] =	stream.indirect_vreg.scatter [tilespmem:s13], [sflag:$0x1], $0x80, v5, vm0, $0xb8;
	[tilespmem:$0xB880] =	vst v63  }
0x838: {  	v5 =	vld [tilespmem:$0x3820];
	_ =	sdelay $0x4  }
0x839: {  	v6 =	vshll.u32 v5, $0x1  }
0x83a: {  	v5 =	vand.u32 $0x7, v5;
	v6 =	vand.u32 $0xFFFFFFF0, v6  }
0x83b: {  	v5 =	vor.u32 v5, v6  }
0x83c: {  	v6 =	vperm.xlane v5, v2;
	_ =	sdelay $0x1  }
0x83d: {  	v5 =	vperm.xlane v5, v4;
	v6 =	vadd.s32 v3, v6;
	_ =	sdelay $0x1  }
0x83e: {  	v5 =	vadd.s32 v3, v5;
	_ =	sdelay $0x2  }
0x83f: {  	[hbm4b:s1+s2] =	stream.indirect_vreg.scatter [tilespmem:s14], [sflag:$0x1], $0x80, v6, vm0, $0xb8;
	[tilespmem:$0xB880] =	vst v63  }
0x840: {  	_ = 	snop  }
0x841: {  	[hbm4b:s1+s2] =	stream.indirect_vreg.scatter [tilespmem:s15], [sflag:$0x1], $0x80, v5, vm0, $0xb8;
	[tilespmem:$0xB880] =	vst v63  }
0x842: {  	v5 =	vld.msk [tilespmem:$0x3830], $0xff;
	_ =	sdelay $0x4  }
0x843: {  	v6 =	vshll.u32 v5, $0x1  }
0x844: {  	v5 =	vand.u32 $0x7, v5;
	v6 =	vand.u32 $0xFFFFFFF0, v6  }
0x845: {  	v5 =	vor.u32 v5, v6  }
0x846: {  	v5 =	vperm.xlane v5, v2;
	_ =	sdelay $0x1  }
0x847: {  	v5 =	vadd.s32 v3, v5;
	_ =	sdelay $0x2  }
0x848: {  	p1 =	sne.s32 s18, $0xBD  }
.Ltmp1:
0x849: {  	_ = 	snop;
	(pc) =	sbr.rel @p1 .LBB2_4-.Ltmp1, $4  }
0x84a: {  	[hbm4b:s1+s2] =	stream.indirect_vreg.scatter [tilespmem:s16], [sflag:$0x1], $0x80, v5, vm0, $0xb8;
	[tilespmem:$0xB880] =	vst v63  }
0x84b: {  	_ =	swait.ge [sflag:s8], $0x3800  }
0x84c: {  	[sflag:s8] =	ssyncset.done $0x0  }
0x84d: {  	s18 =	sadd.s32 $0x7, s18;
	s19 =	sadd.s32 $0x700, s19;
	[sflag:s8] =	ssyncadd.s32 $0xFFFFC800  }
0x84e: {  	s17 =	sadd.s32 $0x1, s17  }
0x84f: {  	p1 =	sne.s32 s17, s4  }
.Ltmp2:
0x850: {  	_ = 	snop;
	(pc) =	sbr.rel @p1 .LBB2_1-.Ltmp2, $1  }
0x851: {  	_ =	sdelay $0x3  }
0x852: {  	_ =	sfence.sel $0x180000  }
0x853: {  	[bflag:$0x0] =	sbarrier.arrive $0xFFFF  }
0x854: {  	_ =	strace $0x90000047  }
0x855: {  	s0 =	sadd.s32 @!p0 $0x100000, s0;
	[bflag:$0x2] =	sbarrier.arrive $0xFFFF  }
0x856: {  	[sflag:s0] =	ssyncadd.tile.s32 @!p0 $0x1;
	_ =	shalt  }
.Lfunc_end2:
_tile_overlayer_lowered:
.L_overlay_start_2:
0x857: {  	(tag) =	ssettag $0x2  }
0x858: {  	s0 =	rddreg [dreg:$0x0];
	s2 =	stileid.u32  }
0x859: {  	s1 =	rddreg [dreg:$0x1];
	p0 =	sne.s32 s2, $0x0  }
0x85a: {  	s3 =	rddreg [dreg:$0x2];
	[bflag:$0x3] =	sbarrier.arrive $0xFFFF;
	s2 =	simm.s32 @!p0 $0x1C01  }
0x85b: {  	[timem:s3], [sflag:s2] =	dma.local @!p0 [hbm:s0], s1  }
0x85c: {  	s0 =	simm.s32 @!p0 $0x1  }
0x85d: {  	_ =	swait.ge @!p0 [sflag:s0], s1  }
0x85e: {  	s1 =	ssub.s32 @!p0 $0x0, s1;
	[sflag:s0] =	ssyncset.done @!p0 $0x0  }
0x85f: {  	[sflag:s0] =	ssyncadd.s32 @!p0 s1  }
0x860: {  	[bflag:$0x3] =	sbarrier.arrive $0xFFFF  }
0x861: {  	_ =	shalt  }

</sc_bundles>
